<compile_context>
chip_gen: v7x
topology: tpu7x:2x2x1
jax: 0.10.2.dev20260603
libtpu: 0.0.44.dev20260713+nightly
codegen_flags: <defaults>
</compile_context>

<pallas_src>
import functools

import jax
import jax.numpy as jnp
from jax import lax
from jax.experimental import pallas as pl
from jax.experimental.pallas import tpu as pltpu
from jax.experimental.pallas import tpu_sc as plsc

C = 8
N = 8192
G = 128
NC = 2
NS = 16
NW = NC * NS
RPW = N // NW
NCHUNK = 4
CHUNK = RPW // NCHUNK
L = 16
RG = 8
NG = RPW // RG
GPC = CHUNK // RG
IPC = CHUNK // L


def _sc_body(table, labels, out_f, out_i,
             labels_v, validf_v, idx_v, rows_v, stage_f, stage_i, sems):
    cid = lax.axis_index("c")
    sid = lax.axis_index("s")
    wid = cid * NS + sid
    base = wid * RPW

    pltpu.sync_copy(labels.at[pl.ds(base, RPW)], labels_v)

    iota = lax.iota(jnp.int32, L)

    def idx_body(i, maskv):
        lab = labels_v[pl.ds(i * L, L)]
        valid = lab >= 1
        clsv = jnp.maximum(lab - 1, 0)
        nvec = base + i * L + iota
        idx = jnp.where(valid, clsv * N + nvec, nvec)
        idx_v[i // IPC, pl.ds((i % IPC) * L, L)] = idx
        validf_v[pl.ds(i * L, L)] = jnp.where(valid, 1.0, 0.0).astype(jnp.float32)
        return maskv | jnp.where(valid, jnp.int32(1) << clsv, 0)

    maskv = jnp.zeros((L,), jnp.int32)
    cps = []
    for c in range(NCHUNK):
        maskv = lax.fori_loop(c * IPC, (c + 1) * IPC, idx_body, maskv,
                              unroll=1)
        cps.append(
            pltpu.async_copy(table.at[idx_v.at[c]], rows_v.at[c], sems.at[c]))

    def group_body(g, carry):
        sx, sn = carry
        for c in range(NCHUNK):
            @pl.when(g == c * GPC)
            def _(c=c):
                cps[c].wait()

        j = g // GPC
        vfv = validf_v[pl.ds(g * RG, L)]
        rbase = (g % GPC) * RG
        for r in range(RG):
            row = rbase + r
            v = rows_v[j, row, pl.ds(0, L)]
            mx = v
            mn = v
            for k in range(1, G // L):
                v = rows_v[j, row, pl.ds(k * L, L)]
                mx = jnp.maximum(mx, v)
                mn = jnp.minimum(mn, v)
            sx = sx + jnp.max(mx) * vfv[r]
            sn = sn + jnp.min(mn) * vfv[r]
        return (sx, sn)

    smax, smin = lax.fori_loop(0, NG, group_body,
                               (jnp.float32(0.0), jnp.float32(0.0)),
                               unroll=1)

    stage_f[...] = jnp.where(iota == 0, smax, smin)
    stage_i[...] = maskv
    pltpu.sync_copy(stage_f, out_f.at[wid])
    pltpu.sync_copy(stage_i, out_i.at[wid])


_sc_minmax = functools.partial(
    pl.kernel,
    out_type=[
        jax.ShapeDtypeStruct((NW, L), jnp.float32),
        jax.ShapeDtypeStruct((NW, L), jnp.int32),
    ],
    mesh=plsc.VectorSubcoreMesh(core_axis_name="c", subcore_axis_name="s"),
    compiler_params=pltpu.CompilerParams(needs_layout_passes=False),
    scratch_types=[
        pltpu.VMEM((RPW,), jnp.int32),
        pltpu.VMEM((RPW + L,), jnp.float32),
        pltpu.VMEM((NCHUNK, CHUNK), jnp.int32),
        pltpu.VMEM((NCHUNK, CHUNK, G), jnp.float32),
        pltpu.VMEM((L,), jnp.float32),
        pltpu.VMEM((L,), jnp.int32),
        pltpu.SemaphoreType.DMA((NCHUNK,)),
    ],
)(_sc_body)


def _combine_body(pf_ref, pi_ref, omax_ref, omin_ref):
    pf = pf_ref[...]
    pi = pi_ref[...]
    lane = lax.broadcasted_iota(jnp.int32, (NW, L), 1)
    smax = jnp.sum(jnp.where(lane == 0, pf, 0.0))
    smin = jnp.sum(jnp.where(lane == 1, pf, 0.0))
    count = jnp.int32(0)
    for c in range(C):
        count = count + jnp.max((pi >> c) & 1)
    denom = count.astype(jnp.float32) * jnp.float32(N)
    omax_ref[...] = jnp.full((1, 1), -smax / denom, jnp.float32)
    omin_ref[...] = jnp.full((1, 1), smin / denom, jnp.float32)


def kernel(list_group_activation, target_labels):
    table = list_group_activation.reshape(C * N, G)
    pf, pi = _sc_minmax(table, target_labels)
    omax, omin = pl.pallas_call(
        _combine_body,
        out_shape=[
            jax.ShapeDtypeStruct((1, 1), jnp.float32),
            jax.ShapeDtypeStruct((1, 1), jnp.float32),
        ],
    )(pf, pi)
    return (omax[0, 0], omin[0, 0])

# --- scband reference (transcript-rebuilt; emitter-appended) ---
"""Pipeline reference for scband-max-min-group-activation-18769007083966 (READ-ONLY COPY).

The authoritative reference and input builder live on the scoring server;
editing this copy changes nothing except your own understanding.
"""

import jax, jax.numpy as jnp
import numpy as np


def setup_inputs(seed: int = 0) -> dict:
    key = jax.random.key(seed)
    k1, k2 = jax.random.split(key)
    list_group_activation = jax.random.normal(k1, (8, 8192, 128), dtype=jnp.float32)
    target_labels = jax.random.randint(k2, (8192,), 0, 8, dtype=jnp.int32)
    return {"list_group_activation": list_group_activation, "target_labels": target_labels}


def reference(list_group_activation, target_labels):
    labels = jnp.reshape(target_labels, (-1,)) - 1
    n = labels.shape[0]
    num_classes = list_group_activation.shape[0]
    per_class_max = []
    per_class_min = []
    present = []
    for cls_i in range(num_classes):
        mask = labels == cls_i
        present.append(jnp.any(mask))
        max_ga = jnp.max(list_group_activation[cls_i], axis=-1)
        min_ga = jnp.min(list_group_activation[cls_i], axis=-1)
        per_class_max.append(jnp.sum(jnp.where(mask, max_ga, 0.0), axis=0))
        per_class_min.append(jnp.sum(jnp.where(mask, min_ga, 0.0), axis=0))
    present_arr = jnp.stack(present)
    count = jnp.sum(present_arr.astype(jnp.float32))
    tmax = jnp.sum(jnp.where(present_arr, jnp.stack(per_class_max), 0.0)) / count
    tmin = jnp.sum(jnp.where(present_arr, jnp.stack(per_class_min), 0.0)) / count
    return (-tmax / n, tmin / n)

if __name__ == "__main__":
    import jax
    _d = setup_inputs()
    print(jax.jit(kernel)(*tuple(_d.values())))

</pallas_src>

<mosaic_0001>
#map = affine_map<(d0, d1) -> (0, 0)>
#map1 = affine_map<(d0, d1) -> (0)>
module attributes {stable_mosaic.version = 14 : i64} {
  func.func @_sc_body(%arg0: i32, %arg1: i32, %arg2: memref<65536x128xf32, #tpu.memory_space<hbm>>, %arg3: memref<8192xi32, #tpu.memory_space<hbm>>, %arg4: memref<32x16xf32, #tpu.memory_space<hbm>>, %arg5: memref<32x16xi32, #tpu.memory_space<hbm>>, %arg6: memref<256xi32, #tpu.memory_space<vmem>>, %arg7: memref<272xf32, #tpu.memory_space<vmem>>, %arg8: memref<4x64xi32, #tpu.memory_space<vmem>>, %arg9: memref<4x64x128xf32, #tpu.memory_space<vmem>>, %arg10: memref<16xf32, #tpu.memory_space<vmem>>, %arg11: memref<16xi32, #tpu.memory_space<vmem>>, %arg12: memref<4x!tpu.dma_semaphore, #tpu.memory_space<semaphore_mem>>) attributes {dimension_semantics = [#tpu.dimension_semantics<core_parallel>, #tpu.dimension_semantics<subcore_parallel>], iteration_bounds = array<i64: 2, 16>, scalar_prefetch = 0 : i64, scratch_operands = 7 : i64, tpu.core_type = #tpu.core_type<sc_vector_subcore>, window_params = [{transform_indices = #map}, {transform_indices = #map1}, {transform_indices = #map}, {transform_indices = #map}]} {
    %mul3A = arith.constant 16 : i32
    %mul3A_0 = arith.muli %arg0, %mul3A : i32
    %add3A = arith.addi %mul3A_0, %arg1 : i32
    %mul3A_1 = arith.constant 256 : i32
    %mul3A_2 = arith.muli %add3A, %mul3A_1 : i32
    "tpu.region"() ({
      %run_scoped3A = tpu.sem_alloc : memref<!tpu.dma_semaphore, #tpu.memory_space<semaphore_mem>>
      %dma_start3A_113 = tpu.memref_slice %arg3[%mul3A_2] : memref<8192xi32, #tpu.memory_space<hbm>> -> memref<256xi32, #tpu.memory_space<hbm>>
      %dma_start3A_114 = tpu.memref_slice %arg3[%mul3A_2] : memref<8192xi32, #tpu.memory_space<hbm>> -> memref<256xi32, #tpu.memory_space<hbm>>
      tpu.enqueue_dma source(%dma_start3A_114 : memref<256xi32, #tpu.memory_space<hbm>>) target(%arg6 : memref<256xi32, #tpu.memory_space<vmem>>) target_semaphore(%run_scoped3A : memref<!tpu.dma_semaphore, #tpu.memory_space<semaphore_mem>>)
      %dma_wait3A = tpu.memref_slice %arg3[%mul3A_2] : memref<8192xi32, #tpu.memory_space<hbm>> -> memref<256xi32, #tpu.memory_space<hbm>>
      %dma_wait3A_115 = tpu.memref_slice %arg3[%mul3A_2] : memref<8192xi32, #tpu.memory_space<hbm>> -> memref<256xi32, #tpu.memory_space<hbm>>
      tpu.wait_dma2 semaphore(%run_scoped3A : memref<!tpu.dma_semaphore, #tpu.memory_space<semaphore_mem>>) src(%dma_wait3A_115 : memref<256xi32, #tpu.memory_space<hbm>>) dst(%arg6 : memref<256xi32, #tpu.memory_space<vmem>>)
      tpu.yield
    }) : () -> ()
    %iota3A = tpu.iota {dimensions = array<i32: 0>} : vector<16xi32>
    %broadcast_in_dim3A = arith.constant 0 : i32
    %broadcast_in_dim3A_3 = vector.broadcast %broadcast_in_dim3A : i32 to vector<16xi32>
    %scan3A = arith.constant 0 : i32
    %scan3A_4 = arith.constant 4 : i32
    %scan3A_5 = arith.addi %scan3A, %scan3A_4 : i32
    %scan3A_6 = arith.constant 1 : i32
    %scan3A_7 = scf.for %scan3A_113 = %scan3A to %scan3A_5 step %scan3A_6 iter_args(%scan3A_114 = %broadcast_in_dim3A_3) -> (vector<16xi32>)  : i32 {
      %mul3A_115 = arith.constant 16 : i32
      %mul3A_116 = arith.muli %scan3A_113, %mul3A_115 : i32
      %get3A = arith.index_cast %mul3A_116 : i32 to index
      %get3A_117 = tpu.vector_load %arg6[%get3A] {strides = array<i32>} : memref<256xi32, #tpu.memory_space<vmem>>, vector<16xi32>,
      %ge3A = arith.constant 1 : i32
      %ge3A_118 = vector.broadcast %ge3A : i32 to vector<16xi32>
      %ge3A_119 = arith.cmpi sge, %get3A_117, %ge3A_118 : vector<16xi32>
      %sub3A = arith.constant 1 : i32
      %sub3A_120 = vector.broadcast %sub3A : i32 to vector<16xi32>
      %sub3A_121 = arith.subi %get3A_117, %sub3A_120 : vector<16xi32>
      %max3A = arith.constant 0 : i32
      %max3A_122 = vector.broadcast %max3A : i32 to vector<16xi32>
      %max3A_123 = arith.maxsi %sub3A_121, %max3A_122 : vector<16xi32>
      %mul3A_124 = arith.constant 16 : i32
      %mul3A_125 = arith.muli %scan3A_113, %mul3A_124 : i32
      %add3A_126 = arith.addi %mul3A_2, %mul3A_125 : i32
      %add3A_127 = vector.broadcast %add3A_126 : i32 to vector<16xi32>
      %add3A_128 = arith.addi %add3A_127, %iota3A : vector<16xi32>
      %mul3A_129 = arith.constant 8192 : i32
      %mul3A_130 = vector.broadcast %mul3A_129 : i32 to vector<16xi32>
      %mul3A_131 = arith.muli %max3A_123, %mul3A_130 : vector<16xi32>
      %add3A_132 = arith.addi %mul3A_131, %add3A_128 : vector<16xi32>
      %select_n3A_133 = arith.select %ge3A_119, %add3A_132, %add3A_128 : vector<16xi1>, vector<16xi32>
      %jit3A = arith.constant 4 : i32
      %div3A = arith.divsi %scan3A_113, %jit3A : i32
      %sign3A = arith.constant 0 : i32
      %sign3A_134 = arith.cmpi sgt, %scan3A_113, %sign3A : i32
      %sign3A_135 = arith.extui %sign3A_134 : i1 to i32
      %sign3A_136 = arith.constant 0 : i32
      %sign3A_137 = arith.cmpi slt, %scan3A_113, %sign3A_136 : i32
      %sign3A_138 = arith.extui %sign3A_137 : i1 to i32
      %sign3A_139 = arith.subi %sign3A_135, %sign3A_138 : i32
      %sign3A_140 = arith.constant 0 : i32
      %sign3A_141 = arith.cmpi sgt, %jit3A, %sign3A_140 : i32
      %sign3A_142 = arith.extui %sign3A_141 : i1 to i32
      %sign3A_143 = arith.constant 0 : i32
      %sign3A_144 = arith.cmpi slt, %jit3A, %sign3A_143 : i32
      %sign3A_145 = arith.extui %sign3A_144 : i1 to i32
      %sign3A_146 = arith.subi %sign3A_142, %sign3A_145 : i32
      %ne3A = arith.cmpi ne, %sign3A_139, %sign3A_146 : i32
      %rem3A = arith.remsi %scan3A_113, %jit3A : i32
      %ne3A_147 = arith.constant 0 : i32
      %ne3A_148 = arith.cmpi ne, %rem3A, %ne3A_147 : i32
      %and3A = arith.andi %ne3A, %ne3A_148 : i1
      %sub3A_149 = arith.constant 1 : i32
      %sub3A_150 = arith.subi %div3A, %sub3A_149 : i32
      %select_n3A_151 = arith.select %and3A, %sub3A_150, %div3A : i32
      %jit3A_152 = arith.constant 4 : i32
      %eq3A_153 = arith.constant 0 : i32
      %eq3A_154 = arith.cmpi eq, %jit3A_152, %eq3A_153 : i32
      %jit3A_155 = arith.constant 1 : i32
      %select_n3A_156 = arith.select %eq3A_154, %jit3A_155, %jit3A_152 : i32
      %rem3A_157 = arith.remsi %scan3A_113, %select_n3A_156 : i32
      %ne3A_158 = arith.constant 0 : i32
      %ne3A_159 = arith.cmpi ne, %rem3A_157, %ne3A_158 : i32
      %lt3A = arith.constant 0 : i32
      %lt3A_160 = arith.cmpi slt, %rem3A_157, %lt3A : i32
      %lt3A_161 = arith.constant 0 : i32
      %lt3A_162 = arith.cmpi slt, %select_n3A_156, %lt3A_161 : i32
      %ne3A_163 = arith.xori %lt3A_160, %lt3A_162 : i1
      %and3A_164 = arith.andi %ne3A_163, %ne3A_159 : i1
      %add3A_165 = arith.addi %rem3A_157, %select_n3A_156 : i32
      %select_n3A_166 = arith.select %and3A_164, %add3A_165, %rem3A_157 : i32
      %mul3A_167 = arith.constant 16 : i32
      %mul3A_168 = arith.muli %select_n3A_166, %mul3A_167 : i32
      %swap3A_169 = arith.index_cast %select_n3A_151 : i32 to index
      %swap3A_170 = arith.index_cast %mul3A_168 : i32 to index
      %swap3A_171 = tpu.vector_load %arg8[%swap3A_169, %swap3A_170] {strides = array<i32>} : memref<4x64xi32, #tpu.memory_space<vmem>>, vector<16xi32>,
      tpu.vector_store %arg8[%swap3A_169, %swap3A_170], %select_n3A_133 {strides = array<i32>} : memref<4x64xi32, #tpu.memory_space<vmem>>, vector<16xi32>,
      %jit3A_172 = arith.constant 1.000000e+00 : f32
      %jit3A_173 = arith.constant 0.000000e+00 : f32
      %broadcast_in_dim3A_174 = vector.broadcast %jit3A_172 : f32 to vector<16xf32>
      %broadcast_in_dim3A_175 = vector.broadcast %jit3A_173 : f32 to vector<16xf32>
      %select_n3A_176 = arith.select %ge3A_119, %broadcast_in_dim3A_174, %broadcast_in_dim3A_175 : vector<16xi1>, vector<16xf32>
      %mul3A_177 = arith.constant 16 : i32
      %mul3A_178 = arith.muli %scan3A_113, %mul3A_177 : i32
      %swap3A_179 = arith.index_cast %mul3A_178 : i32 to index
      %swap3A_180 = tpu.vector_load %arg7[%swap3A_179] {strides = array<i32>} : memref<272xf32, #tpu.memory_space<vmem>>, vector<16xf32>,
      tpu.vector_store %arg7[%swap3A_179], %select_n3A_176 {strides = array<i32>} : memref<272xf32, #tpu.memory_space<vmem>>, vector<16xf32>,
      %shift_left3A = arith.constant 1 : i32
      %shift_left3A_181 = vector.broadcast %shift_left3A : i32 to vector<16xi32>
      %shift_left3A_182 = arith.shli %shift_left3A_181, %max3A_123 : vector<16xi32>
      %jit3A_183 = arith.constant 0 : i32
      %broadcast_in_dim3A_184 = vector.broadcast %jit3A_183 : i32 to vector<16xi32>
      %select_n3A_185 = arith.select %ge3A_119, %shift_left3A_182, %broadcast_in_dim3A_184 : vector<16xi1>, vector<16xi32>
      %or3A = arith.ori %scan3A_114, %select_n3A_185 : vector<16xi32>
      scf.yield %or3A : vector<16xi32>
    }
    %scan3A_8 = arith.constant 4 : i32
    %dma_start3A = arith.constant 0 : i32
    %dma_start3A_9 = arith.constant 0 : i32
    %dma_start3A_10 = arith.constant 0 : i32
    %dma_start3A_11 = arith.constant 0 : i32
    %dma_start3A_12 = arith.constant 0 : i32
    %dma_start3A_13 = tpu.memref_slice %arg9[%dma_start3A_9, %dma_start3A_11, %dma_start3A_12] : memref<4x64x128xf32, #tpu.memory_space<vmem>> -> memref<1x64x128xf32, #tpu.memory_space<vmem>>
    %dma_start3A_14 = tpu.memref_squeeze %dma_start3A_13 : memref<1x64x128xf32, #tpu.memory_space<vmem>> -> memref<64x128xf32, #tpu.memory_space<vmem>>
    %dma_start3A_15 = arith.constant 0 : i32
    %dma_start3A_16 = tpu.memref_slice %arg8[%dma_start3A, %dma_start3A_15] : memref<4x64xi32, #tpu.memory_space<vmem>> -> memref<1x64xi32, #tpu.memory_space<vmem>>
    %dma_start3A_17 = tpu.memref_squeeze %dma_start3A_16 : memref<1x64xi32, #tpu.memory_space<vmem>> -> memref<64xi32, #tpu.memory_space<vmem>>
    %dma_start3A_18 = arith.constant 0 : i32
    %dma_start3A_19 = arith.constant 0 : i32
    %dma_start3A_20 = tpu.memref_slice %arg2[%dma_start3A_18, %dma_start3A_19] : memref<65536x128xf32, #tpu.memory_space<hbm>> -> memref<65536x128xf32, #tpu.memory_space<hbm>>
    %dma_start3A_21 = tpu.memref_slice %arg12[%dma_start3A_10] : memref<4x!tpu.dma_semaphore, #tpu.memory_space<semaphore_mem>> -> memref<1x!tpu.dma_semaphore, #tpu.memory_space<semaphore_mem>>
    %dma_start3A_22 = tpu.memref_squeeze %dma_start3A_21 : memref<1x!tpu.dma_semaphore, #tpu.memory_space<semaphore_mem>> -> memref<!tpu.dma_semaphore, #tpu.memory_space<semaphore_mem>>
    tpu.enqueue_indirect_dma source(%dma_start3A_20 : memref<65536x128xf32, #tpu.memory_space<hbm>>) target(%dma_start3A_14 : memref<64x128xf32, #tpu.memory_space<vmem>>) offsets(%dma_start3A_17 : memref<64xi32, #tpu.memory_space<vmem>>) semaphore(%dma_start3A_22 : memref<!tpu.dma_semaphore, #tpu.memory_space<semaphore_mem>>)
    %scan3A_23 = arith.constant 4 : i32
    %scan3A_24 = arith.constant 4 : i32
    %scan3A_25 = arith.addi %scan3A_23, %scan3A_24 : i32
    %scan3A_26 = arith.constant 1 : i32
    %scan3A_27 = scf.for %scan3A_113 = %scan3A_23 to %scan3A_25 step %scan3A_26 iter_args(%scan3A_114 = %scan3A_7) -> (vector<16xi32>)  : i32 {
      %mul3A_115 = arith.constant 16 : i32
      %mul3A_116 = arith.muli %scan3A_113, %mul3A_115 : i32
      %get3A = arith.index_cast %mul3A_116 : i32 to index
      %get3A_117 = tpu.vector_load %arg6[%get3A] {strides = array<i32>} : memref<256xi32, #tpu.memory_space<vmem>>, vector<16xi32>,
      %ge3A = arith.constant 1 : i32
      %ge3A_118 = vector.broadcast %ge3A : i32 to vector<16xi32>
      %ge3A_119 = arith.cmpi sge, %get3A_117, %ge3A_118 : vector<16xi32>
      %sub3A = arith.constant 1 : i32
      %sub3A_120 = vector.broadcast %sub3A : i32 to vector<16xi32>
      %sub3A_121 = arith.subi %get3A_117, %sub3A_120 : vector<16xi32>
      %max3A = arith.constant 0 : i32
      %max3A_122 = vector.broadcast %max3A : i32 to vector<16xi32>
      %max3A_123 = arith.maxsi %sub3A_121, %max3A_122 : vector<16xi32>
      %mul3A_124 = arith.constant 16 : i32
      %mul3A_125 = arith.muli %scan3A_113, %mul3A_124 : i32
      %add3A_126 = arith.addi %mul3A_2, %mul3A_125 : i32
      %add3A_127 = vector.broadcast %add3A_126 : i32 to vector<16xi32>
      %add3A_128 = arith.addi %add3A_127, %iota3A : vector<16xi32>
      %mul3A_129 = arith.constant 8192 : i32
      %mul3A_130 = vector.broadcast %mul3A_129 : i32 to vector<16xi32>
      %mul3A_131 = arith.muli %max3A_123, %mul3A_130 : vector<16xi32>
      %add3A_132 = arith.addi %mul3A_131, %add3A_128 : vector<16xi32>
      %select_n3A_133 = arith.select %ge3A_119, %add3A_132, %add3A_128 : vector<16xi1>, vector<16xi32>
      %jit3A = arith.constant 4 : i32
      %div3A = arith.divsi %scan3A_113, %jit3A : i32
      %sign3A = arith.constant 0 : i32
      %sign3A_134 = arith.cmpi sgt, %scan3A_113, %sign3A : i32
      %sign3A_135 = arith.extui %sign3A_134 : i1 to i32
      %sign3A_136 = arith.constant 0 : i32
      %sign3A_137 = arith.cmpi slt, %scan3A_113, %sign3A_136 : i32
      %sign3A_138 = arith.extui %sign3A_137 : i1 to i32
      %sign3A_139 = arith.subi %sign3A_135, %sign3A_138 : i32
      %sign3A_140 = arith.constant 0 : i32
      %sign3A_141 = arith.cmpi sgt, %jit3A, %sign3A_140 : i32
      %sign3A_142 = arith.extui %sign3A_141 : i1 to i32
      %sign3A_143 = arith.constant 0 : i32
      %sign3A_144 = arith.cmpi slt, %jit3A, %sign3A_143 : i32
      %sign3A_145 = arith.extui %sign3A_144 : i1 to i32
      %sign3A_146 = arith.subi %sign3A_142, %sign3A_145 : i32
      %ne3A = arith.cmpi ne, %sign3A_139, %sign3A_146 : i32
      %rem3A = arith.remsi %scan3A_113, %jit3A : i32
      %ne3A_147 = arith.constant 0 : i32
      %ne3A_148 = arith.cmpi ne, %rem3A, %ne3A_147 : i32
      %and3A = arith.andi %ne3A, %ne3A_148 : i1
      %sub3A_149 = arith.constant 1 : i32
      %sub3A_150 = arith.subi %div3A, %sub3A_149 : i32
      %select_n3A_151 = arith.select %and3A, %sub3A_150, %div3A : i32
      %jit3A_152 = arith.constant 4 : i32
      %eq3A_153 = arith.constant 0 : i32
      %eq3A_154 = arith.cmpi eq, %jit3A_152, %eq3A_153 : i32
      %jit3A_155 = arith.constant 1 : i32
      %select_n3A_156 = arith.select %eq3A_154, %jit3A_155, %jit3A_152 : i32
      %rem3A_157 = arith.remsi %scan3A_113, %select_n3A_156 : i32
      %ne3A_158 = arith.constant 0 : i32
      %ne3A_159 = arith.cmpi ne, %rem3A_157, %ne3A_158 : i32
      %lt3A = arith.constant 0 : i32
      %lt3A_160 = arith.cmpi slt, %rem3A_157, %lt3A : i32
      %lt3A_161 = arith.constant 0 : i32
      %lt3A_162 = arith.cmpi slt, %select_n3A_156, %lt3A_161 : i32
      %ne3A_163 = arith.xori %lt3A_160, %lt3A_162 : i1
      %and3A_164 = arith.andi %ne3A_163, %ne3A_159 : i1
      %add3A_165 = arith.addi %rem3A_157, %select_n3A_156 : i32
      %select_n3A_166 = arith.select %and3A_164, %add3A_165, %rem3A_157 : i32
      %mul3A_167 = arith.constant 16 : i32
      %mul3A_168 = arith.muli %select_n3A_166, %mul3A_167 : i32
      %swap3A_169 = arith.index_cast %select_n3A_151 : i32 to index
      %swap3A_170 = arith.index_cast %mul3A_168 : i32 to index
      %swap3A_171 = tpu.vector_load %arg8[%swap3A_169, %swap3A_170] {strides = array<i32>} : memref<4x64xi32, #tpu.memory_space<vmem>>, vector<16xi32>,
      tpu.vector_store %arg8[%swap3A_169, %swap3A_170], %select_n3A_133 {strides = array<i32>} : memref<4x64xi32, #tpu.memory_space<vmem>>, vector<16xi32>,
      %jit3A_172 = arith.constant 1.000000e+00 : f32
      %jit3A_173 = arith.constant 0.000000e+00 : f32
      %broadcast_in_dim3A_174 = vector.broadcast %jit3A_172 : f32 to vector<16xf32>
      %broadcast_in_dim3A_175 = vector.broadcast %jit3A_173 : f32 to vector<16xf32>
      %select_n3A_176 = arith.select %ge3A_119, %broadcast_in_dim3A_174, %broadcast_in_dim3A_175 : vector<16xi1>, vector<16xf32>
      %mul3A_177 = arith.constant 16 : i32
      %mul3A_178 = arith.muli %scan3A_113, %mul3A_177 : i32
      %swap3A_179 = arith.index_cast %mul3A_178 : i32 to index
      %swap3A_180 = tpu.vector_load %arg7[%swap3A_179] {strides = array<i32>} : memref<272xf32, #tpu.memory_space<vmem>>, vector<16xf32>,
      tpu.vector_store %arg7[%swap3A_179], %select_n3A_176 {strides = array<i32>} : memref<272xf32, #tpu.memory_space<vmem>>, vector<16xf32>,
      %shift_left3A = arith.constant 1 : i32
      %shift_left3A_181 = vector.broadcast %shift_left3A : i32 to vector<16xi32>
      %shift_left3A_182 = arith.shli %shift_left3A_181, %max3A_123 : vector<16xi32>
      %jit3A_183 = arith.constant 0 : i32
      %broadcast_in_dim3A_184 = vector.broadcast %jit3A_183 : i32 to vector<16xi32>
      %select_n3A_185 = arith.select %ge3A_119, %shift_left3A_182, %broadcast_in_dim3A_184 : vector<16xi1>, vector<16xi32>
      %or3A = arith.ori %scan3A_114, %select_n3A_185 : vector<16xi32>
      scf.yield %or3A : vector<16xi32>
    }
    %scan3A_28 = arith.constant 4 : i32
    %dma_start3A_29 = arith.constant 1 : i32
    %dma_start3A_30 = arith.constant 1 : i32
    %dma_start3A_31 = arith.constant 1 : i32
    %dma_start3A_32 = arith.constant 0 : i32
    %dma_start3A_33 = arith.constant 0 : i32
    %dma_start3A_34 = tpu.memref_slice %arg9[%dma_start3A_30, %dma_start3A_32, %dma_start3A_33] : memref<4x64x128xf32, #tpu.memory_space<vmem>> -> memref<1x64x128xf32, #tpu.memory_space<vmem>>
    %dma_start3A_35 = tpu.memref_squeeze %dma_start3A_34 : memref<1x64x128xf32, #tpu.memory_space<vmem>> -> memref<64x128xf32, #tpu.memory_space<vmem>>
    %dma_start3A_36 = arith.constant 0 : i32
    %dma_start3A_37 = tpu.memref_slice %arg8[%dma_start3A_29, %dma_start3A_36] : memref<4x64xi32, #tpu.memory_space<vmem>> -> memref<1x64xi32, #tpu.memory_space<vmem>>
    %dma_start3A_38 = tpu.memref_squeeze %dma_start3A_37 : memref<1x64xi32, #tpu.memory_space<vmem>> -> memref<64xi32, #tpu.memory_space<vmem>>
    %dma_start3A_39 = arith.constant 0 : i32
    %dma_start3A_40 = arith.constant 0 : i32
    %dma_start3A_41 = tpu.memref_slice %arg2[%dma_start3A_39, %dma_start3A_40] : memref<65536x128xf32, #tpu.memory_space<hbm>> -> memref<65536x128xf32, #tpu.memory_space<hbm>>
    %dma_start3A_42 = tpu.memref_slice %arg12[%dma_start3A_31] : memref<4x!tpu.dma_semaphore, #tpu.memory_space<semaphore_mem>> -> memref<1x!tpu.dma_semaphore, #tpu.memory_space<semaphore_mem>>
    %dma_start3A_43 = tpu.memref_squeeze %dma_start3A_42 : memref<1x!tpu.dma_semaphore, #tpu.memory_space<semaphore_mem>> -> memref<!tpu.dma_semaphore, #tpu.memory_space<semaphore_mem>>
    tpu.enqueue_indirect_dma source(%dma_start3A_41 : memref<65536x128xf32, #tpu.memory_space<hbm>>) target(%dma_start3A_35 : memref<64x128xf32, #tpu.memory_space<vmem>>) offsets(%dma_start3A_38 : memref<64xi32, #tpu.memory_space<vmem>>) semaphore(%dma_start3A_43 : memref<!tpu.dma_semaphore, #tpu.memory_space<semaphore_mem>>)
    %scan3A_44 = arith.constant 8 : i32
    %scan3A_45 = arith.constant 4 : i32
    %scan3A_46 = arith.addi %scan3A_44, %scan3A_45 : i32
    %scan3A_47 = arith.constant 1 : i32
    %scan3A_48 = scf.for %scan3A_113 = %scan3A_44 to %scan3A_46 step %scan3A_47 iter_args(%scan3A_114 = %scan3A_27) -> (vector<16xi32>)  : i32 {
      %mul3A_115 = arith.constant 16 : i32
      %mul3A_116 = arith.muli %scan3A_113, %mul3A_115 : i32
      %get3A = arith.index_cast %mul3A_116 : i32 to index
      %get3A_117 = tpu.vector_load %arg6[%get3A] {strides = array<i32>} : memref<256xi32, #tpu.memory_space<vmem>>, vector<16xi32>,
      %ge3A = arith.constant 1 : i32
      %ge3A_118 = vector.broadcast %ge3A : i32 to vector<16xi32>
      %ge3A_119 = arith.cmpi sge, %get3A_117, %ge3A_118 : vector<16xi32>
      %sub3A = arith.constant 1 : i32
      %sub3A_120 = vector.broadcast %sub3A : i32 to vector<16xi32>
      %sub3A_121 = arith.subi %get3A_117, %sub3A_120 : vector<16xi32>
      %max3A = arith.constant 0 : i32
      %max3A_122 = vector.broadcast %max3A : i32 to vector<16xi32>
      %max3A_123 = arith.maxsi %sub3A_121, %max3A_122 : vector<16xi32>
      %mul3A_124 = arith.constant 16 : i32
      %mul3A_125 = arith.muli %scan3A_113, %mul3A_124 : i32
      %add3A_126 = arith.addi %mul3A_2, %mul3A_125 : i32
      %add3A_127 = vector.broadcast %add3A_126 : i32 to vector<16xi32>
      %add3A_128 = arith.addi %add3A_127, %iota3A : vector<16xi32>
      %mul3A_129 = arith.constant 8192 : i32
      %mul3A_130 = vector.broadcast %mul3A_129 : i32 to vector<16xi32>
      %mul3A_131 = arith.muli %max3A_123, %mul3A_130 : vector<16xi32>
      %add3A_132 = arith.addi %mul3A_131, %add3A_128 : vector<16xi32>
      %select_n3A_133 = arith.select %ge3A_119, %add3A_132, %add3A_128 : vector<16xi1>, vector<16xi32>
      %jit3A = arith.constant 4 : i32
      %div3A = arith.divsi %scan3A_113, %jit3A : i32
      %sign3A = arith.constant 0 : i32
      %sign3A_134 = arith.cmpi sgt, %scan3A_113, %sign3A : i32
      %sign3A_135 = arith.extui %sign3A_134 : i1 to i32
      %sign3A_136 = arith.constant 0 : i32
      %sign3A_137 = arith.cmpi slt, %scan3A_113, %sign3A_136 : i32
      %sign3A_138 = arith.extui %sign3A_137 : i1 to i32
      %sign3A_139 = arith.subi %sign3A_135, %sign3A_138 : i32
      %sign3A_140 = arith.constant 0 : i32
      %sign3A_141 = arith.cmpi sgt, %jit3A, %sign3A_140 : i32
      %sign3A_142 = arith.extui %sign3A_141 : i1 to i32
      %sign3A_143 = arith.constant 0 : i32
      %sign3A_144 = arith.cmpi slt, %jit3A, %sign3A_143 : i32
      %sign3A_145 = arith.extui %sign3A_144 : i1 to i32
      %sign3A_146 = arith.subi %sign3A_142, %sign3A_145 : i32
      %ne3A = arith.cmpi ne, %sign3A_139, %sign3A_146 : i32
      %rem3A = arith.remsi %scan3A_113, %jit3A : i32
      %ne3A_147 = arith.constant 0 : i32
      %ne3A_148 = arith.cmpi ne, %rem3A, %ne3A_147 : i32
      %and3A = arith.andi %ne3A, %ne3A_148 : i1
      %sub3A_149 = arith.constant 1 : i32
      %sub3A_150 = arith.subi %div3A, %sub3A_149 : i32
      %select_n3A_151 = arith.select %and3A, %sub3A_150, %div3A : i32
      %jit3A_152 = arith.constant 4 : i32
      %eq3A_153 = arith.constant 0 : i32
      %eq3A_154 = arith.cmpi eq, %jit3A_152, %eq3A_153 : i32
      %jit3A_155 = arith.constant 1 : i32
      %select_n3A_156 = arith.select %eq3A_154, %jit3A_155, %jit3A_152 : i32
      %rem3A_157 = arith.remsi %scan3A_113, %select_n3A_156 : i32
      %ne3A_158 = arith.constant 0 : i32
      %ne3A_159 = arith.cmpi ne, %rem3A_157, %ne3A_158 : i32
      %lt3A = arith.constant 0 : i32
      %lt3A_160 = arith.cmpi slt, %rem3A_157, %lt3A : i32
      %lt3A_161 = arith.constant 0 : i32
      %lt3A_162 = arith.cmpi slt, %select_n3A_156, %lt3A_161 : i32
      %ne3A_163 = arith.xori %lt3A_160, %lt3A_162 : i1
      %and3A_164 = arith.andi %ne3A_163, %ne3A_159 : i1
      %add3A_165 = arith.addi %rem3A_157, %select_n3A_156 : i32
      %select_n3A_166 = arith.select %and3A_164, %add3A_165, %rem3A_157 : i32
      %mul3A_167 = arith.constant 16 : i32
      %mul3A_168 = arith.muli %select_n3A_166, %mul3A_167 : i32
      %swap3A_169 = arith.index_cast %select_n3A_151 : i32 to index
      %swap3A_170 = arith.index_cast %mul3A_168 : i32 to index
      %swap3A_171 = tpu.vector_load %arg8[%swap3A_169, %swap3A_170] {strides = array<i32>} : memref<4x64xi32, #tpu.memory_space<vmem>>, vector<16xi32>,
      tpu.vector_store %arg8[%swap3A_169, %swap3A_170], %select_n3A_133 {strides = array<i32>} : memref<4x64xi32, #tpu.memory_space<vmem>>, vector<16xi32>,
      %jit3A_172 = arith.constant 1.000000e+00 : f32
      %jit3A_173 = arith.constant 0.000000e+00 : f32
      %broadcast_in_dim3A_174 = vector.broadcast %jit3A_172 : f32 to vector<16xf32>
      %broadcast_in_dim3A_175 = vector.broadcast %jit3A_173 : f32 to vector<16xf32>
      %select_n3A_176 = arith.select %ge3A_119, %broadcast_in_dim3A_174, %broadcast_in_dim3A_175 : vector<16xi1>, vector<16xf32>
      %mul3A_177 = arith.constant 16 : i32
      %mul3A_178 = arith.muli %scan3A_113, %mul3A_177 : i32
      %swap3A_179 = arith.index_cast %mul3A_178 : i32 to index
      %swap3A_180 = tpu.vector_load %arg7[%swap3A_179] {strides = array<i32>} : memref<272xf32, #tpu.memory_space<vmem>>, vector<16xf32>,
      tpu.vector_store %arg7[%swap3A_179], %select_n3A_176 {strides = array<i32>} : memref<272xf32, #tpu.memory_space<vmem>>, vector<16xf32>,
      %shift_left3A = arith.constant 1 : i32
      %shift_left3A_181 = vector.broadcast %shift_left3A : i32 to vector<16xi32>
      %shift_left3A_182 = arith.shli %shift_left3A_181, %max3A_123 : vector<16xi32>
      %jit3A_183 = arith.constant 0 : i32
      %broadcast_in_dim3A_184 = vector.broadcast %jit3A_183 : i32 to vector<16xi32>
      %select_n3A_185 = arith.select %ge3A_119, %shift_left3A_182, %broadcast_in_dim3A_184 : vector<16xi1>, vector<16xi32>
      %or3A = arith.ori %scan3A_114, %select_n3A_185 : vector<16xi32>
      scf.yield %or3A : vector<16xi32>
    }
    %scan3A_49 = arith.constant 4 : i32
    %dma_start3A_50 = arith.constant 2 : i32
    %dma_start3A_51 = arith.constant 2 : i32
    %dma_start3A_52 = arith.constant 2 : i32
    %dma_start3A_53 = arith.constant 0 : i32
    %dma_start3A_54 = arith.constant 0 : i32
    %dma_start3A_55 = tpu.memref_slice %arg9[%dma_start3A_51, %dma_start3A_53, %dma_start3A_54] : memref<4x64x128xf32, #tpu.memory_space<vmem>> -> memref<1x64x128xf32, #tpu.memory_space<vmem>>
    %dma_start3A_56 = tpu.memref_squeeze %dma_start3A_55 : memref<1x64x128xf32, #tpu.memory_space<vmem>> -> memref<64x128xf32, #tpu.memory_space<vmem>>
    %dma_start3A_57 = arith.constant 0 : i32
    %dma_start3A_58 = tpu.memref_slice %arg8[%dma_start3A_50, %dma_start3A_57] : memref<4x64xi32, #tpu.memory_space<vmem>> -> memref<1x64xi32, #tpu.memory_space<vmem>>
    %dma_start3A_59 = tpu.memref_squeeze %dma_start3A_58 : memref<1x64xi32, #tpu.memory_space<vmem>> -> memref<64xi32, #tpu.memory_space<vmem>>
    %dma_start3A_60 = arith.constant 0 : i32
    %dma_start3A_61 = arith.constant 0 : i32
    %dma_start3A_62 = tpu.memref_slice %arg2[%dma_start3A_60, %dma_start3A_61] : memref<65536x128xf32, #tpu.memory_space<hbm>> -> memref<65536x128xf32, #tpu.memory_space<hbm>>
    %dma_start3A_63 = tpu.memref_slice %arg12[%dma_start3A_52] : memref<4x!tpu.dma_semaphore, #tpu.memory_space<semaphore_mem>> -> memref<1x!tpu.dma_semaphore, #tpu.memory_space<semaphore_mem>>
    %dma_start3A_64 = tpu.memref_squeeze %dma_start3A_63 : memref<1x!tpu.dma_semaphore, #tpu.memory_space<semaphore_mem>> -> memref<!tpu.dma_semaphore, #tpu.memory_space<semaphore_mem>>
    tpu.enqueue_indirect_dma source(%dma_start3A_62 : memref<65536x128xf32, #tpu.memory_space<hbm>>) target(%dma_start3A_56 : memref<64x128xf32, #tpu.memory_space<vmem>>) offsets(%dma_start3A_59 : memref<64xi32, #tpu.memory_space<vmem>>) semaphore(%dma_start3A_64 : memref<!tpu.dma_semaphore, #tpu.memory_space<semaphore_mem>>)
    %scan3A_65 = arith.constant 12 : i32
    %scan3A_66 = arith.constant 4 : i32
    %scan3A_67 = arith.addi %scan3A_65, %scan3A_66 : i32
    %scan3A_68 = arith.constant 1 : i32
    %scan3A_69 = scf.for %scan3A_113 = %scan3A_65 to %scan3A_67 step %scan3A_68 iter_args(%scan3A_114 = %scan3A_48) -> (vector<16xi32>)  : i32 {
      %mul3A_115 = arith.constant 16 : i32
      %mul3A_116 = arith.muli %scan3A_113, %mul3A_115 : i32
      %get3A = arith.index_cast %mul3A_116 : i32 to index
      %get3A_117 = tpu.vector_load %arg6[%get3A] {strides = array<i32>} : memref<256xi32, #tpu.memory_space<vmem>>, vector<16xi32>,
      %ge3A = arith.constant 1 : i32
      %ge3A_118 = vector.broadcast %ge3A : i32 to vector<16xi32>
      %ge3A_119 = arith.cmpi sge, %get3A_117, %ge3A_118 : vector<16xi32>
      %sub3A = arith.constant 1 : i32
      %sub3A_120 = vector.broadcast %sub3A : i32 to vector<16xi32>
      %sub3A_121 = arith.subi %get3A_117, %sub3A_120 : vector<16xi32>
      %max3A = arith.constant 0 : i32
      %max3A_122 = vector.broadcast %max3A : i32 to vector<16xi32>
      %max3A_123 = arith.maxsi %sub3A_121, %max3A_122 : vector<16xi32>
      %mul3A_124 = arith.constant 16 : i32
      %mul3A_125 = arith.muli %scan3A_113, %mul3A_124 : i32
      %add3A_126 = arith.addi %mul3A_2, %mul3A_125 : i32
      %add3A_127 = vector.broadcast %add3A_126 : i32 to vector<16xi32>
      %add3A_128 = arith.addi %add3A_127, %iota3A : vector<16xi32>
      %mul3A_129 = arith.constant 8192 : i32
      %mul3A_130 = vector.broadcast %mul3A_129 : i32 to vector<16xi32>
      %mul3A_131 = arith.muli %max3A_123, %mul3A_130 : vector<16xi32>
      %add3A_132 = arith.addi %mul3A_131, %add3A_128 : vector<16xi32>
      %select_n3A_133 = arith.select %ge3A_119, %add3A_132, %add3A_128 : vector<16xi1>, vector<16xi32>
      %jit3A = arith.constant 4 : i32
      %div3A = arith.divsi %scan3A_113, %jit3A : i32
      %sign3A = arith.constant 0 : i32
      %sign3A_134 = arith.cmpi sgt, %scan3A_113, %sign3A : i32
      %sign3A_135 = arith.extui %sign3A_134 : i1 to i32
      %sign3A_136 = arith.constant 0 : i32
      %sign3A_137 = arith.cmpi slt, %scan3A_113, %sign3A_136 : i32
      %sign3A_138 = arith.extui %sign3A_137 : i1 to i32
      %sign3A_139 = arith.subi %sign3A_135, %sign3A_138 : i32
      %sign3A_140 = arith.constant 0 : i32
      %sign3A_141 = arith.cmpi sgt, %jit3A, %sign3A_140 : i32
      %sign3A_142 = arith.extui %sign3A_141 : i1 to i32
      %sign3A_143 = arith.constant 0 : i32
      %sign3A_144 = arith.cmpi slt, %jit3A, %sign3A_143 : i32
      %sign3A_145 = arith.extui %sign3A_144 : i1 to i32
      %sign3A_146 = arith.subi %sign3A_142, %sign3A_145 : i32
      %ne3A = arith.cmpi ne, %sign3A_139, %sign3A_146 : i32
      %rem3A = arith.remsi %scan3A_113, %jit3A : i32
      %ne3A_147 = arith.constant 0 : i32
      %ne3A_148 = arith.cmpi ne, %rem3A, %ne3A_147 : i32
      %and3A = arith.andi %ne3A, %ne3A_148 : i1
      %sub3A_149 = arith.constant 1 : i32
      %sub3A_150 = arith.subi %div3A, %sub3A_149 : i32
      %select_n3A_151 = arith.select %and3A, %sub3A_150, %div3A : i32
      %jit3A_152 = arith.constant 4 : i32
      %eq3A_153 = arith.constant 0 : i32
      %eq3A_154 = arith.cmpi eq, %jit3A_152, %eq3A_153 : i32
      %jit3A_155 = arith.constant 1 : i32
      %select_n3A_156 = arith.select %eq3A_154, %jit3A_155, %jit3A_152 : i32
      %rem3A_157 = arith.remsi %scan3A_113, %select_n3A_156 : i32
      %ne3A_158 = arith.constant 0 : i32
      %ne3A_159 = arith.cmpi ne, %rem3A_157, %ne3A_158 : i32
      %lt3A = arith.constant 0 : i32
      %lt3A_160 = arith.cmpi slt, %rem3A_157, %lt3A : i32
      %lt3A_161 = arith.constant 0 : i32
      %lt3A_162 = arith.cmpi slt, %select_n3A_156, %lt3A_161 : i32
      %ne3A_163 = arith.xori %lt3A_160, %lt3A_162 : i1
      %and3A_164 = arith.andi %ne3A_163, %ne3A_159 : i1
      %add3A_165 = arith.addi %rem3A_157, %select_n3A_156 : i32
      %select_n3A_166 = arith.select %and3A_164, %add3A_165, %rem3A_157 : i32
      %mul3A_167 = arith.constant 16 : i32
      %mul3A_168 = arith.muli %select_n3A_166, %mul3A_167 : i32
      %swap3A_169 = arith.index_cast %select_n3A_151 : i32 to index
      %swap3A_170 = arith.index_cast %mul3A_168 : i32 to index
      %swap3A_171 = tpu.vector_load %arg8[%swap3A_169, %swap3A_170] {strides = array<i32>} : memref<4x64xi32, #tpu.memory_space<vmem>>, vector<16xi32>,
      tpu.vector_store %arg8[%swap3A_169, %swap3A_170], %select_n3A_133 {strides = array<i32>} : memref<4x64xi32, #tpu.memory_space<vmem>>, vector<16xi32>,
      %jit3A_172 = arith.constant 1.000000e+00 : f32
      %jit3A_173 = arith.constant 0.000000e+00 : f32
      %broadcast_in_dim3A_174 = vector.broadcast %jit3A_172 : f32 to vector<16xf32>
      %broadcast_in_dim3A_175 = vector.broadcast %jit3A_173 : f32 to vector<16xf32>
      %select_n3A_176 = arith.select %ge3A_119, %broadcast_in_dim3A_174, %broadcast_in_dim3A_175 : vector<16xi1>, vector<16xf32>
      %mul3A_177 = arith.constant 16 : i32
      %mul3A_178 = arith.muli %scan3A_113, %mul3A_177 : i32
      %swap3A_179 = arith.index_cast %mul3A_178 : i32 to index
      %swap3A_180 = tpu.vector_load %arg7[%swap3A_179] {strides = array<i32>} : memref<272xf32, #tpu.memory_space<vmem>>, vector<16xf32>,
      tpu.vector_store %arg7[%swap3A_179], %select_n3A_176 {strides = array<i32>} : memref<272xf32, #tpu.memory_space<vmem>>, vector<16xf32>,
      %shift_left3A = arith.constant 1 : i32
      %shift_left3A_181 = vector.broadcast %shift_left3A : i32 to vector<16xi32>
      %shift_left3A_182 = arith.shli %shift_left3A_181, %max3A_123 : vector<16xi32>
      %jit3A_183 = arith.constant 0 : i32
      %broadcast_in_dim3A_184 = vector.broadcast %jit3A_183 : i32 to vector<16xi32>
      %select_n3A_185 = arith.select %ge3A_119, %shift_left3A_182, %broadcast_in_dim3A_184 : vector<16xi1>, vector<16xi32>
      %or3A = arith.ori %scan3A_114, %select_n3A_185 : vector<16xi32>
      scf.yield %or3A : vector<16xi32>
    }
    %scan3A_70 = arith.constant 4 : i32
    %dma_start3A_71 = arith.constant 3 : i32
    %dma_start3A_72 = arith.constant 3 : i32
    %dma_start3A_73 = arith.constant 3 : i32
    %dma_start3A_74 = arith.constant 0 : i32
    %dma_start3A_75 = arith.constant 0 : i32
    %dma_start3A_76 = tpu.memref_slice %arg9[%dma_start3A_72, %dma_start3A_74, %dma_start3A_75] : memref<4x64x128xf32, #tpu.memory_space<vmem>> -> memref<1x64x128xf32, #tpu.memory_space<vmem>>
    %dma_start3A_77 = tpu.memref_squeeze %dma_start3A_76 : memref<1x64x128xf32, #tpu.memory_space<vmem>> -> memref<64x128xf32, #tpu.memory_space<vmem>>
    %dma_start3A_78 = arith.constant 0 : i32
    %dma_start3A_79 = tpu.memref_slice %arg8[%dma_start3A_71, %dma_start3A_78] : memref<4x64xi32, #tpu.memory_space<vmem>> -> memref<1x64xi32, #tpu.memory_space<vmem>>
    %dma_start3A_80 = tpu.memref_squeeze %dma_start3A_79 : memref<1x64xi32, #tpu.memory_space<vmem>> -> memref<64xi32, #tpu.memory_space<vmem>>
    %dma_start3A_81 = arith.constant 0 : i32
    %dma_start3A_82 = arith.constant 0 : i32
    %dma_start3A_83 = tpu.memref_slice %arg2[%dma_start3A_81, %dma_start3A_82] : memref<65536x128xf32, #tpu.memory_space<hbm>> -> memref<65536x128xf32, #tpu.memory_space<hbm>>
    %dma_start3A_84 = tpu.memref_slice %arg12[%dma_start3A_73] : memref<4x!tpu.dma_semaphore, #tpu.memory_space<semaphore_mem>> -> memref<1x!tpu.dma_semaphore, #tpu.memory_space<semaphore_mem>>
    %dma_start3A_85 = tpu.memref_squeeze %dma_start3A_84 : memref<1x!tpu.dma_semaphore, #tpu.memory_space<semaphore_mem>> -> memref<!tpu.dma_semaphore, #tpu.memory_space<semaphore_mem>>
    tpu.enqueue_indirect_dma source(%dma_start3A_83 : memref<65536x128xf32, #tpu.memory_space<hbm>>) target(%dma_start3A_77 : memref<64x128xf32, #tpu.memory_space<vmem>>) offsets(%dma_start3A_80 : memref<64xi32, #tpu.memory_space<vmem>>) semaphore(%dma_start3A_85 : memref<!tpu.dma_semaphore, #tpu.memory_space<semaphore_mem>>)
    %scan3A_86 = arith.constant 0 : i32
    %scan3A_87 = arith.constant 0 : i32
    %scan3A_88 = arith.constant 0 : i32
    %scan3A_89 = arith.constant 1 : i32
    %scan3A_90 = arith.constant 1 : i32
    %scan3A_91 = arith.constant 1 : i32
    %scan3A_92 = arith.constant 2 : i32
    %scan3A_93 = arith.constant 2 : i32
    %scan3A_94 = arith.constant 2 : i32
    %scan3A_95 = arith.constant 3 : i32
    %scan3A_96 = arith.constant 3 : i32
    %scan3A_97 = arith.constant 3 : i32
    %scan3A_98 = arith.constant 0.000000e+00 : f32
    %scan3A_99 = arith.constant 0.000000e+00 : f32
    %scan3A_100 = arith.constant 0 : i32
    %scan3A_101 = arith.constant 32 : i32
    %scan3A_102 = arith.addi %scan3A_100, %scan3A_101 : i32
    %scan3A_103 = arith.constant 1 : i32
    %scan3A_104:2 = scf.for %scan3A_113 = %scan3A_100 to %scan3A_102 step %scan3A_103 iter_args(%scan3A_114 = %scan3A_98, %scan3A_115 = %scan3A_99) -> (f32, f32)  : i32 {
      %eq3A_116 = arith.constant 0 : i32
      %eq3A_117 = arith.cmpi eq, %scan3A_113, %eq3A_116 : i32
      %convert_element_type3A = arith.extui %eq3A_117 : i1 to i32
      %cond3A = arith.constant 0 : i32
      %cond3A_118 = arith.cmpi ne, %convert_element_type3A, %cond3A : i32
      scf.if %cond3A_118 {
        %dma_wait3A = arith.constant 0 : i32
        %dma_wait3A_677 = arith.constant 0 : i32
        %dma_wait3A_678 = tpu.memref_slice %arg9[%scan3A_87, %dma_wait3A, %dma_wait3A_677] : memref<4x64x128xf32, #tpu.memory_space<vmem>> -> memref<1x64x128xf32, #tpu.memory_space<vmem>>
        %dma_wait3A_679 = tpu.memref_squeeze %dma_wait3A_678 : memref<1x64x128xf32, #tpu.memory_space<vmem>> -> memref<64x128xf32, #tpu.memory_space<vmem>>
        %dma_wait3A_680 = arith.constant 0 : i32
        %dma_wait3A_681 = tpu.memref_slice %arg8[%scan3A_86, %dma_wait3A_680] : memref<4x64xi32, #tpu.memory_space<vmem>> -> memref<1x64xi32, #tpu.memory_space<vmem>>
        %dma_wait3A_682 = tpu.memref_squeeze %dma_wait3A_681 : memref<1x64xi32, #tpu.memory_space<vmem>> -> memref<64xi32, #tpu.memory_space<vmem>>
        %dma_wait3A_683 = arith.constant 0 : i32
        %dma_wait3A_684 = arith.constant 0 : i32
        %dma_wait3A_685 = tpu.memref_slice %arg2[%dma_wait3A_683, %dma_wait3A_684] : memref<65536x128xf32, #tpu.memory_space<hbm>> -> memref<65536x128xf32, #tpu.memory_space<hbm>>
        %dma_wait3A_686 = tpu.memref_slice %arg12[%scan3A_88] : memref<4x!tpu.dma_semaphore, #tpu.memory_space<semaphore_mem>> -> memref<1x!tpu.dma_semaphore, #tpu.memory_space<semaphore_mem>>
        %dma_wait3A_687 = tpu.memref_squeeze %dma_wait3A_686 : memref<1x!tpu.dma_semaphore, #tpu.memory_space<semaphore_mem>> -> memref<!tpu.dma_semaphore, #tpu.memory_space<semaphore_mem>>
        tpu.wait_indirect_dma semaphore(%dma_wait3A_687 : memref<!tpu.dma_semaphore, #tpu.memory_space<semaphore_mem>>) src(%dma_wait3A_685 : memref<65536x128xf32, #tpu.memory_space<hbm>>) dst(%dma_wait3A_679 : memref<64x128xf32, #tpu.memory_space<vmem>>)
      } else {
      }
      %eq3A_119 = arith.constant 8 : i32
      %eq3A_120 = arith.cmpi eq, %scan3A_113, %eq3A_119 : i32
      %convert_element_type3A_121 = arith.extui %eq3A_120 : i1 to i32
      %cond3A_122 = arith.constant 0 : i32
      %cond3A_123 = arith.cmpi ne, %convert_element_type3A_121, %cond3A_122 : i32
      scf.if %cond3A_123 {
        %dma_wait3A = arith.constant 0 : i32
        %dma_wait3A_677 = arith.constant 0 : i32
        %dma_wait3A_678 = tpu.memref_slice %arg9[%scan3A_90, %dma_wait3A, %dma_wait3A_677] : memref<4x64x128xf32, #tpu.memory_space<vmem>> -> memref<1x64x128xf32, #tpu.memory_space<vmem>>
        %dma_wait3A_679 = tpu.memref_squeeze %dma_wait3A_678 : memref<1x64x128xf32, #tpu.memory_space<vmem>> -> memref<64x128xf32, #tpu.memory_space<vmem>>
        %dma_wait3A_680 = arith.constant 0 : i32
        %dma_wait3A_681 = tpu.memref_slice %arg8[%scan3A_89, %dma_wait3A_680] : memref<4x64xi32, #tpu.memory_space<vmem>> -> memref<1x64xi32, #tpu.memory_space<vmem>>
        %dma_wait3A_682 = tpu.memref_squeeze %dma_wait3A_681 : memref<1x64xi32, #tpu.memory_space<vmem>> -> memref<64xi32, #tpu.memory_space<vmem>>
        %dma_wait3A_683 = arith.constant 0 : i32
        %dma_wait3A_684 = arith.constant 0 : i32
        %dma_wait3A_685 = tpu.memref_slice %arg2[%dma_wait3A_683, %dma_wait3A_684] : memref<65536x128xf32, #tpu.memory_space<hbm>> -> memref<65536x128xf32, #tpu.memory_space<hbm>>
        %dma_wait3A_686 = tpu.memref_slice %arg12[%scan3A_91] : memref<4x!tpu.dma_semaphore, #tpu.memory_space<semaphore_mem>> -> memref<1x!tpu.dma_semaphore, #tpu.memory_space<semaphore_mem>>
        %dma_wait3A_687 = tpu.memref_squeeze %dma_wait3A_686 : memref<1x!tpu.dma_semaphore, #tpu.memory_space<semaphore_mem>> -> memref<!tpu.dma_semaphore, #tpu.memory_space<semaphore_mem>>
        tpu.wait_indirect_dma semaphore(%dma_wait3A_687 : memref<!tpu.dma_semaphore, #tpu.memory_space<semaphore_mem>>) src(%dma_wait3A_685 : memref<65536x128xf32, #tpu.memory_space<hbm>>) dst(%dma_wait3A_679 : memref<64x128xf32, #tpu.memory_space<vmem>>)
      } else {
      }
      %eq3A_124 = arith.constant 16 : i32
      %eq3A_125 = arith.cmpi eq, %scan3A_113, %eq3A_124 : i32
      %convert_element_type3A_126 = arith.extui %eq3A_125 : i1 to i32
      %cond3A_127 = arith.constant 0 : i32
      %cond3A_128 = arith.cmpi ne, %convert_element_type3A_126, %cond3A_127 : i32
      scf.if %cond3A_128 {
        %dma_wait3A = arith.constant 0 : i32
        %dma_wait3A_677 = arith.constant 0 : i32
        %dma_wait3A_678 = tpu.memref_slice %arg9[%scan3A_93, %dma_wait3A, %dma_wait3A_677] : memref<4x64x128xf32, #tpu.memory_space<vmem>> -> memref<1x64x128xf32, #tpu.memory_space<vmem>>
        %dma_wait3A_679 = tpu.memref_squeeze %dma_wait3A_678 : memref<1x64x128xf32, #tpu.memory_space<vmem>> -> memref<64x128xf32, #tpu.memory_space<vmem>>
        %dma_wait3A_680 = arith.constant 0 : i32
        %dma_wait3A_681 = tpu.memref_slice %arg8[%scan3A_92, %dma_wait3A_680] : memref<4x64xi32, #tpu.memory_space<vmem>> -> memref<1x64xi32, #tpu.memory_space<vmem>>
        %dma_wait3A_682 = tpu.memref_squeeze %dma_wait3A_681 : memref<1x64xi32, #tpu.memory_space<vmem>> -> memref<64xi32, #tpu.memory_space<vmem>>
        %dma_wait3A_683 = arith.constant 0 : i32
        %dma_wait3A_684 = arith.constant 0 : i32
        %dma_wait3A_685 = tpu.memref_slice %arg2[%dma_wait3A_683, %dma_wait3A_684] : memref<65536x128xf32, #tpu.memory_space<hbm>> -> memref<65536x128xf32, #tpu.memory_space<hbm>>
        %dma_wait3A_686 = tpu.memref_slice %arg12[%scan3A_94] : memref<4x!tpu.dma_semaphore, #tpu.memory_space<semaphore_mem>> -> memref<1x!tpu.dma_semaphore, #tpu.memory_space<semaphore_mem>>
        %dma_wait3A_687 = tpu.memref_squeeze %dma_wait3A_686 : memref<1x!tpu.dma_semaphore, #tpu.memory_space<semaphore_mem>> -> memref<!tpu.dma_semaphore, #tpu.memory_space<semaphore_mem>>
        tpu.wait_indirect_dma semaphore(%dma_wait3A_687 : memref<!tpu.dma_semaphore, #tpu.memory_space<semaphore_mem>>) src(%dma_wait3A_685 : memref<65536x128xf32, #tpu.memory_space<hbm>>) dst(%dma_wait3A_679 : memref<64x128xf32, #tpu.memory_space<vmem>>)
      } else {
      }
      %eq3A_129 = arith.constant 24 : i32
      %eq3A_130 = arith.cmpi eq, %scan3A_113, %eq3A_129 : i32
      %convert_element_type3A_131 = arith.extui %eq3A_130 : i1 to i32
      %cond3A_132 = arith.constant 0 : i32
      %cond3A_133 = arith.cmpi ne, %convert_element_type3A_131, %cond3A_132 : i32
      scf.if %cond3A_133 {
        %dma_wait3A = arith.constant 0 : i32
        %dma_wait3A_677 = arith.constant 0 : i32
        %dma_wait3A_678 = tpu.memref_slice %arg9[%scan3A_96, %dma_wait3A, %dma_wait3A_677] : memref<4x64x128xf32, #tpu.memory_space<vmem>> -> memref<1x64x128xf32, #tpu.memory_space<vmem>>
        %dma_wait3A_679 = tpu.memref_squeeze %dma_wait3A_678 : memref<1x64x128xf32, #tpu.memory_space<vmem>> -> memref<64x128xf32, #tpu.memory_space<vmem>>
        %dma_wait3A_680 = arith.constant 0 : i32
        %dma_wait3A_681 = tpu.memref_slice %arg8[%scan3A_95, %dma_wait3A_680] : memref<4x64xi32, #tpu.memory_space<vmem>> -> memref<1x64xi32, #tpu.memory_space<vmem>>
        %dma_wait3A_682 = tpu.memref_squeeze %dma_wait3A_681 : memref<1x64xi32, #tpu.memory_space<vmem>> -> memref<64xi32, #tpu.memory_space<vmem>>
        %dma_wait3A_683 = arith.constant 0 : i32
        %dma_wait3A_684 = arith.constant 0 : i32
        %dma_wait3A_685 = tpu.memref_slice %arg2[%dma_wait3A_683, %dma_wait3A_684] : memref<65536x128xf32, #tpu.memory_space<hbm>> -> memref<65536x128xf32, #tpu.memory_space<hbm>>
        %dma_wait3A_686 = tpu.memref_slice %arg12[%scan3A_97] : memref<4x!tpu.dma_semaphore, #tpu.memory_space<semaphore_mem>> -> memref<1x!tpu.dma_semaphore, #tpu.memory_space<semaphore_mem>>
        %dma_wait3A_687 = tpu.memref_squeeze %dma_wait3A_686 : memref<1x!tpu.dma_semaphore, #tpu.memory_space<semaphore_mem>> -> memref<!tpu.dma_semaphore, #tpu.memory_space<semaphore_mem>>
        tpu.wait_indirect_dma semaphore(%dma_wait3A_687 : memref<!tpu.dma_semaphore, #tpu.memory_space<semaphore_mem>>) src(%dma_wait3A_685 : memref<65536x128xf32, #tpu.memory_space<hbm>>) dst(%dma_wait3A_679 : memref<64x128xf32, #tpu.memory_space<vmem>>)
      } else {
      }
      %jit3A = arith.constant 8 : i32
      %div3A = arith.divsi %scan3A_113, %jit3A : i32
      %sign3A = arith.constant 0 : i32
      %sign3A_134 = arith.cmpi sgt, %scan3A_113, %sign3A : i32
      %sign3A_135 = arith.extui %sign3A_134 : i1 to i32
      %sign3A_136 = arith.constant 0 : i32
      %sign3A_137 = arith.cmpi slt, %scan3A_113, %sign3A_136 : i32
      %sign3A_138 = arith.extui %sign3A_137 : i1 to i32
      %sign3A_139 = arith.subi %sign3A_135, %sign3A_138 : i32
      %sign3A_140 = arith.constant 0 : i32
      %sign3A_141 = arith.cmpi sgt, %jit3A, %sign3A_140 : i32
      %sign3A_142 = arith.extui %sign3A_141 : i1 to i32
      %sign3A_143 = arith.constant 0 : i32
      %sign3A_144 = arith.cmpi slt, %jit3A, %sign3A_143 : i32
      %sign3A_145 = arith.extui %sign3A_144 : i1 to i32
      %sign3A_146 = arith.subi %sign3A_142, %sign3A_145 : i32
      %ne3A = arith.cmpi ne, %sign3A_139, %sign3A_146 : i32
      %rem3A = arith.remsi %scan3A_113, %jit3A : i32
      %ne3A_147 = arith.constant 0 : i32
      %ne3A_148 = arith.cmpi ne, %rem3A, %ne3A_147 : i32
      %and3A = arith.andi %ne3A, %ne3A_148 : i1
      %sub3A = arith.constant 1 : i32
      %sub3A_149 = arith.subi %div3A, %sub3A : i32
      %select_n3A_150 = arith.select %and3A, %sub3A_149, %div3A : i32
      %mul3A_151 = arith.constant 8 : i32
      %mul3A_152 = arith.muli %scan3A_113, %mul3A_151 : i32
      %get3A = arith.index_cast %mul3A_152 : i32 to index
      %get3A_153 = tpu.vector_load %arg7[%get3A] {strides = array<i32>} : memref<272xf32, #tpu.memory_space<vmem>>, vector<16xf32>,
      %jit3A_154 = arith.constant 8 : i32
      %eq3A_155 = arith.constant 0 : i32
      %eq3A_156 = arith.cmpi eq, %jit3A_154, %eq3A_155 : i32
      %jit3A_157 = arith.constant 1 : i32
      %select_n3A_158 = arith.select %eq3A_156, %jit3A_157, %jit3A_154 : i32
      %rem3A_159 = arith.remsi %scan3A_113, %select_n3A_158 : i32
      %ne3A_160 = arith.constant 0 : i32
      %ne3A_161 = arith.cmpi ne, %rem3A_159, %ne3A_160 : i32
      %lt3A = arith.constant 0 : i32
      %lt3A_162 = arith.cmpi slt, %rem3A_159, %lt3A : i32
      %lt3A_163 = arith.constant 0 : i32
      %lt3A_164 = arith.cmpi slt, %select_n3A_158, %lt3A_163 : i32
      %ne3A_165 = arith.xori %lt3A_162, %lt3A_164 : i1
      %and3A_166 = arith.andi %ne3A_165, %ne3A_161 : i1
      %add3A_167 = arith.addi %rem3A_159, %select_n3A_158 : i32
      %select_n3A_168 = arith.select %and3A_166, %add3A_167, %rem3A_159 : i32
      %mul3A_169 = arith.constant 8 : i32
      %mul3A_170 = arith.muli %select_n3A_168, %mul3A_169 : i32
      %add3A_171 = arith.constant 0 : i32
      %add3A_172 = arith.addi %mul3A_170, %add3A_171 : i32
      %get3A_173 = arith.index_cast %select_n3A_150 : i32 to index
      %get3A_174 = arith.index_cast %add3A_172 : i32 to index
      %get3A_175 = arith.constant 0 : index
      %get3A_176 = tpu.vector_load %arg9[%get3A_173, %get3A_174, %get3A_175] {strides = array<i32>} : memref<4x64x128xf32, #tpu.memory_space<vmem>>, vector<16xf32>,
      %get3A_177 = arith.index_cast %select_n3A_150 : i32 to index
      %get3A_178 = arith.index_cast %add3A_172 : i32 to index
      %get3A_179 = arith.constant 16 : index
      %get3A_180 = tpu.vector_load %arg9[%get3A_177, %get3A_178, %get3A_179] {strides = array<i32>} : memref<4x64x128xf32, #tpu.memory_space<vmem>>, vector<16xf32>,
      %max3A = arith.maximumf %get3A_176, %get3A_180 : vector<16xf32>
      %min3A = arith.minimumf %get3A_176, %get3A_180 : vector<16xf32>
      %get3A_181 = arith.index_cast %select_n3A_150 : i32 to index
      %get3A_182 = arith.index_cast %add3A_172 : i32 to index
      %get3A_183 = arith.constant 32 : index
      %get3A_184 = tpu.vector_load %arg9[%get3A_181, %get3A_182, %get3A_183] {strides = array<i32>} : memref<4x64x128xf32, #tpu.memory_space<vmem>>, vector<16xf32>,
      %max3A_185 = arith.maximumf %max3A, %get3A_184 : vector<16xf32>
      %min3A_186 = arith.minimumf %min3A, %get3A_184 : vector<16xf32>
      %get3A_187 = arith.index_cast %select_n3A_150 : i32 to index
      %get3A_188 = arith.index_cast %add3A_172 : i32 to index
      %get3A_189 = arith.constant 48 : index
      %get3A_190 = tpu.vector_load %arg9[%get3A_187, %get3A_188, %get3A_189] {strides = array<i32>} : memref<4x64x128xf32, #tpu.memory_space<vmem>>, vector<16xf32>,
      %max3A_191 = arith.maximumf %max3A_185, %get3A_190 : vector<16xf32>
      %min3A_192 = arith.minimumf %min3A_186, %get3A_190 : vector<16xf32>
      %get3A_193 = arith.index_cast %select_n3A_150 : i32 to index
      %get3A_194 = arith.index_cast %add3A_172 : i32 to index
      %get3A_195 = arith.constant 64 : index
      %get3A_196 = tpu.vector_load %arg9[%get3A_193, %get3A_194, %get3A_195] {strides = array<i32>} : memref<4x64x128xf32, #tpu.memory_space<vmem>>, vector<16xf32>,
      %max3A_197 = arith.maximumf %max3A_191, %get3A_196 : vector<16xf32>
      %min3A_198 = arith.minimumf %min3A_192, %get3A_196 : vector<16xf32>
      %get3A_199 = arith.index_cast %select_n3A_150 : i32 to index
      %get3A_200 = arith.index_cast %add3A_172 : i32 to index
      %get3A_201 = arith.constant 80 : index
      %get3A_202 = tpu.vector_load %arg9[%get3A_199, %get3A_200, %get3A_201] {strides = array<i32>} : memref<4x64x128xf32, #tpu.memory_space<vmem>>, vector<16xf32>,
      %max3A_203 = arith.maximumf %max3A_197, %get3A_202 : vector<16xf32>
      %min3A_204 = arith.minimumf %min3A_198, %get3A_202 : vector<16xf32>
      %get3A_205 = arith.index_cast %select_n3A_150 : i32 to index
      %get3A_206 = arith.index_cast %add3A_172 : i32 to index
      %get3A_207 = arith.constant 96 : index
      %get3A_208 = tpu.vector_load %arg9[%get3A_205, %get3A_206, %get3A_207] {strides = array<i32>} : memref<4x64x128xf32, #tpu.memory_space<vmem>>, vector<16xf32>,
      %max3A_209 = arith.maximumf %max3A_203, %get3A_208 : vector<16xf32>
      %min3A_210 = arith.minimumf %min3A_204, %get3A_208 : vector<16xf32>
      %get3A_211 = arith.index_cast %select_n3A_150 : i32 to index
      %get3A_212 = arith.index_cast %add3A_172 : i32 to index
      %get3A_213 = arith.constant 112 : index
      %get3A_214 = tpu.vector_load %arg9[%get3A_211, %get3A_212, %get3A_213] {strides = array<i32>} : memref<4x64x128xf32, #tpu.memory_space<vmem>>, vector<16xf32>,
      %max3A_215 = arith.maximumf %max3A_209, %get3A_214 : vector<16xf32>
      %min3A_216 = arith.minimumf %min3A_210, %get3A_214 : vector<16xf32>
      %reduce_max3A = arith.constant true
      %reduce_max3A_217 = vector.broadcast %reduce_max3A : i1 to vector<16xi1>
      %reduce_max3A_218 = tpu.scan <max>, %max3A_215 masked %reduce_max3A_217 : vector<16xf32>, vector<16xi1> -> vector<16xf32>
      %reduce_max3A_219 = vector.extract %reduce_max3A_218[15] : f32 from vector<16xf32>
      %slice3A = vector.extract_strided_slice %get3A_153 {offsets = [0], sizes = [1], strides = [1]} : vector<16xf32> to vector<1xf32>
      %squeeze3A = vector.extract %slice3A[0] : f32 from vector<1xf32>
      %mul3A_220 = arith.mulf %reduce_max3A_219, %squeeze3A : f32
      %add3A_221 = arith.addf %scan3A_114, %mul3A_220 : f32
      %reduce_min3A = arith.constant true
      %reduce_min3A_222 = vector.broadcast %reduce_min3A : i1 to vector<16xi1>
      %reduce_min3A_223 = tpu.scan <min>, %min3A_216 masked %reduce_min3A_222 : vector<16xf32>, vector<16xi1> -> vector<16xf32>
      %reduce_min3A_224 = vector.extract %reduce_min3A_223[15] : f32 from vector<16xf32>
      %slice3A_225 = vector.extract_strided_slice %get3A_153 {offsets = [0], sizes = [1], strides = [1]} : vector<16xf32> to vector<1xf32>
      %squeeze3A_226 = vector.extract %slice3A_225[0] : f32 from vector<1xf32>
      %mul3A_227 = arith.mulf %reduce_min3A_224, %squeeze3A_226 : f32
      %add3A_228 = arith.addf %scan3A_115, %mul3A_227 : f32
      %add3A_229 = arith.constant 1 : i32
      %add3A_230 = arith.addi %mul3A_170, %add3A_229 : i32
      %get3A_231 = arith.index_cast %select_n3A_150 : i32 to index
      %get3A_232 = arith.index_cast %add3A_230 : i32 to index
      %get3A_233 = arith.constant 0 : index
      %get3A_234 = tpu.vector_load %arg9[%get3A_231, %get3A_232, %get3A_233] {strides = array<i32>} : memref<4x64x128xf32, #tpu.memory_space<vmem>>, vector<16xf32>,
      %get3A_235 = arith.index_cast %select_n3A_150 : i32 to index
      %get3A_236 = arith.index_cast %add3A_230 : i32 to index
      %get3A_237 = arith.constant 16 : index
      %get3A_238 = tpu.vector_load %arg9[%get3A_235, %get3A_236, %get3A_237] {strides = array<i32>} : memref<4x64x128xf32, #tpu.memory_space<vmem>>, vector<16xf32>,
      %max3A_239 = arith.maximumf %get3A_234, %get3A_238 : vector<16xf32>
      %min3A_240 = arith.minimumf %get3A_234, %get3A_238 : vector<16xf32>
      %get3A_241 = arith.index_cast %select_n3A_150 : i32 to index
      %get3A_242 = arith.index_cast %add3A_230 : i32 to index
      %get3A_243 = arith.constant 32 : index
      %get3A_244 = tpu.vector_load %arg9[%get3A_241, %get3A_242, %get3A_243] {strides = array<i32>} : memref<4x64x128xf32, #tpu.memory_space<vmem>>, vector<16xf32>,
      %max3A_245 = arith.maximumf %max3A_239, %get3A_244 : vector<16xf32>
      %min3A_246 = arith.minimumf %min3A_240, %get3A_244 : vector<16xf32>
      %get3A_247 = arith.index_cast %select_n3A_150 : i32 to index
      %get3A_248 = arith.index_cast %add3A_230 : i32 to index
      %get3A_249 = arith.constant 48 : index
      %get3A_250 = tpu.vector_load %arg9[%get3A_247, %get3A_248, %get3A_249] {strides = array<i32>} : memref<4x64x128xf32, #tpu.memory_space<vmem>>, vector<16xf32>,
      %max3A_251 = arith.maximumf %max3A_245, %get3A_250 : vector<16xf32>
      %min3A_252 = arith.minimumf %min3A_246, %get3A_250 : vector<16xf32>
      %get3A_253 = arith.index_cast %select_n3A_150 : i32 to index
      %get3A_254 = arith.index_cast %add3A_230 : i32 to index
      %get3A_255 = arith.constant 64 : index
      %get3A_256 = tpu.vector_load %arg9[%get3A_253, %get3A_254, %get3A_255] {strides = array<i32>} : memref<4x64x128xf32, #tpu.memory_space<vmem>>, vector<16xf32>,
      %max3A_257 = arith.maximumf %max3A_251, %get3A_256 : vector<16xf32>
      %min3A_258 = arith.minimumf %min3A_252, %get3A_256 : vector<16xf32>
      %get3A_259 = arith.index_cast %select_n3A_150 : i32 to index
      %get3A_260 = arith.index_cast %add3A_230 : i32 to index
      %get3A_261 = arith.constant 80 : index
      %get3A_262 = tpu.vector_load %arg9[%get3A_259, %get3A_260, %get3A_261] {strides = array<i32>} : memref<4x64x128xf32, #tpu.memory_space<vmem>>, vector<16xf32>,
      %max3A_263 = arith.maximumf %max3A_257, %get3A_262 : vector<16xf32>
      %min3A_264 = arith.minimumf %min3A_258, %get3A_262 : vector<16xf32>
      %get3A_265 = arith.index_cast %select_n3A_150 : i32 to index
      %get3A_266 = arith.index_cast %add3A_230 : i32 to index
      %get3A_267 = arith.constant 96 : index
      %get3A_268 = tpu.vector_load %arg9[%get3A_265, %get3A_266, %get3A_267] {strides = array<i32>} : memref<4x64x128xf32, #tpu.memory_space<vmem>>, vector<16xf32>,
      %max3A_269 = arith.maximumf %max3A_263, %get3A_268 : vector<16xf32>
      %min3A_270 = arith.minimumf %min3A_264, %get3A_268 : vector<16xf32>
      %get3A_271 = arith.index_cast %select_n3A_150 : i32 to index
      %get3A_272 = arith.index_cast %add3A_230 : i32 to index
      %get3A_273 = arith.constant 112 : index
      %get3A_274 = tpu.vector_load %arg9[%get3A_271, %get3A_272, %get3A_273] {strides = array<i32>} : memref<4x64x128xf32, #tpu.memory_space<vmem>>, vector<16xf32>,
      %max3A_275 = arith.maximumf %max3A_269, %get3A_274 : vector<16xf32>
      %min3A_276 = arith.minimumf %min3A_270, %get3A_274 : vector<16xf32>
      %reduce_max3A_277 = arith.constant true
      %reduce_max3A_278 = vector.broadcast %reduce_max3A_277 : i1 to vector<16xi1>
      %reduce_max3A_279 = tpu.scan <max>, %max3A_275 masked %reduce_max3A_278 : vector<16xf32>, vector<16xi1> -> vector<16xf32>
      %reduce_max3A_280 = vector.extract %reduce_max3A_279[15] : f32 from vector<16xf32>
      %slice3A_281 = vector.extract_strided_slice %get3A_153 {offsets = [1], sizes = [1], strides = [1]} : vector<16xf32> to vector<1xf32>
      %squeeze3A_282 = vector.extract %slice3A_281[0] : f32 from vector<1xf32>
      %mul3A_283 = arith.mulf %reduce_max3A_280, %squeeze3A_282 : f32
      %add3A_284 = arith.addf %add3A_221, %mul3A_283 : f32
      %reduce_min3A_285 = arith.constant true
      %reduce_min3A_286 = vector.broadcast %reduce_min3A_285 : i1 to vector<16xi1>
      %reduce_min3A_287 = tpu.scan <min>, %min3A_276 masked %reduce_min3A_286 : vector<16xf32>, vector<16xi1> -> vector<16xf32>
      %reduce_min3A_288 = vector.extract %reduce_min3A_287[15] : f32 from vector<16xf32>
      %slice3A_289 = vector.extract_strided_slice %get3A_153 {offsets = [1], sizes = [1], strides = [1]} : vector<16xf32> to vector<1xf32>
      %squeeze3A_290 = vector.extract %slice3A_289[0] : f32 from vector<1xf32>
      %mul3A_291 = arith.mulf %reduce_min3A_288, %squeeze3A_290 : f32
      %add3A_292 = arith.addf %add3A_228, %mul3A_291 : f32
      %add3A_293 = arith.constant 2 : i32
      %add3A_294 = arith.addi %mul3A_170, %add3A_293 : i32
      %get3A_295 = arith.index_cast %select_n3A_150 : i32 to index
      %get3A_296 = arith.index_cast %add3A_294 : i32 to index
      %get3A_297 = arith.constant 0 : index
      %get3A_298 = tpu.vector_load %arg9[%get3A_295, %get3A_296, %get3A_297] {strides = array<i32>} : memref<4x64x128xf32, #tpu.memory_space<vmem>>, vector<16xf32>,
      %get3A_299 = arith.index_cast %select_n3A_150 : i32 to index
      %get3A_300 = arith.index_cast %add3A_294 : i32 to index
      %get3A_301 = arith.constant 16 : index
      %get3A_302 = tpu.vector_load %arg9[%get3A_299, %get3A_300, %get3A_301] {strides = array<i32>} : memref<4x64x128xf32, #tpu.memory_space<vmem>>, vector<16xf32>,
      %max3A_303 = arith.maximumf %get3A_298, %get3A_302 : vector<16xf32>
      %min3A_304 = arith.minimumf %get3A_298, %get3A_302 : vector<16xf32>
      %get3A_305 = arith.index_cast %select_n3A_150 : i32 to index
      %get3A_306 = arith.index_cast %add3A_294 : i32 to index
      %get3A_307 = arith.constant 32 : index
      %get3A_308 = tpu.vector_load %arg9[%get3A_305, %get3A_306, %get3A_307] {strides = array<i32>} : memref<4x64x128xf32, #tpu.memory_space<vmem>>, vector<16xf32>,
      %max3A_309 = arith.maximumf %max3A_303, %get3A_308 : vector<16xf32>
      %min3A_310 = arith.minimumf %min3A_304, %get3A_308 : vector<16xf32>
      %get3A_311 = arith.index_cast %select_n3A_150 : i32 to index
      %get3A_312 = arith.index_cast %add3A_294 : i32 to index
      %get3A_313 = arith.constant 48 : index
      %get3A_314 = tpu.vector_load %arg9[%get3A_311, %get3A_312, %get3A_313] {strides = array<i32>} : memref<4x64x128xf32, #tpu.memory_space<vmem>>, vector<16xf32>,
      %max3A_315 = arith.maximumf %max3A_309, %get3A_314 : vector<16xf32>
      %min3A_316 = arith.minimumf %min3A_310, %get3A_314 : vector<16xf32>
      %get3A_317 = arith.index_cast %select_n3A_150 : i32 to index
      %get3A_318 = arith.index_cast %add3A_294 : i32 to index
      %get3A_319 = arith.constant 64 : index
      %get3A_320 = tpu.vector_load %arg9[%get3A_317, %get3A_318, %get3A_319] {strides = array<i32>} : memref<4x64x128xf32, #tpu.memory_space<vmem>>, vector<16xf32>,
      %max3A_321 = arith.maximumf %max3A_315, %get3A_320 : vector<16xf32>
      %min3A_322 = arith.minimumf %min3A_316, %get3A_320 : vector<16xf32>
      %get3A_323 = arith.index_cast %select_n3A_150 : i32 to index
      %get3A_324 = arith.index_cast %add3A_294 : i32 to index
      %get3A_325 = arith.constant 80 : index
      %get3A_326 = tpu.vector_load %arg9[%get3A_323, %get3A_324, %get3A_325] {strides = array<i32>} : memref<4x64x128xf32, #tpu.memory_space<vmem>>, vector<16xf32>,
      %max3A_327 = arith.maximumf %max3A_321, %get3A_326 : vector<16xf32>
      %min3A_328 = arith.minimumf %min3A_322, %get3A_326 : vector<16xf32>
      %get3A_329 = arith.index_cast %select_n3A_150 : i32 to index
      %get3A_330 = arith.index_cast %add3A_294 : i32 to index
      %get3A_331 = arith.constant 96 : index
      %get3A_332 = tpu.vector_load %arg9[%get3A_329, %get3A_330, %get3A_331] {strides = array<i32>} : memref<4x64x128xf32, #tpu.memory_space<vmem>>, vector<16xf32>,
      %max3A_333 = arith.maximumf %max3A_327, %get3A_332 : vector<16xf32>
      %min3A_334 = arith.minimumf %min3A_328, %get3A_332 : vector<16xf32>
      %get3A_335 = arith.index_cast %select_n3A_150 : i32 to index
      %get3A_336 = arith.index_cast %add3A_294 : i32 to index
      %get3A_337 = arith.constant 112 : index
      %get3A_338 = tpu.vector_load %arg9[%get3A_335, %get3A_336, %get3A_337] {strides = array<i32>} : memref<4x64x128xf32, #tpu.memory_space<vmem>>, vector<16xf32>,
      %max3A_339 = arith.maximumf %max3A_333, %get3A_338 : vector<16xf32>
      %min3A_340 = arith.minimumf %min3A_334, %get3A_338 : vector<16xf32>
      %reduce_max3A_341 = arith.constant true
      %reduce_max3A_342 = vector.broadcast %reduce_max3A_341 : i1 to vector<16xi1>
      %reduce_max3A_343 = tpu.scan <max>, %max3A_339 masked %reduce_max3A_342 : vector<16xf32>, vector<16xi1> -> vector<16xf32>
      %reduce_max3A_344 = vector.extract %reduce_max3A_343[15] : f32 from vector<16xf32>
      %slice3A_345 = vector.extract_strided_slice %get3A_153 {offsets = [2], sizes = [1], strides = [1]} : vector<16xf32> to vector<1xf32>
      %squeeze3A_346 = vector.extract %slice3A_345[0] : f32 from vector<1xf32>
      %mul3A_347 = arith.mulf %reduce_max3A_344, %squeeze3A_346 : f32
      %add3A_348 = arith.addf %add3A_284, %mul3A_347 : f32
      %reduce_min3A_349 = arith.constant true
      %reduce_min3A_350 = vector.broadcast %reduce_min3A_349 : i1 to vector<16xi1>
      %reduce_min3A_351 = tpu.scan <min>, %min3A_340 masked %reduce_min3A_350 : vector<16xf32>, vector<16xi1> -> vector<16xf32>
      %reduce_min3A_352 = vector.extract %reduce_min3A_351[15] : f32 from vector<16xf32>
      %slice3A_353 = vector.extract_strided_slice %get3A_153 {offsets = [2], sizes = [1], strides = [1]} : vector<16xf32> to vector<1xf32>
      %squeeze3A_354 = vector.extract %slice3A_353[0] : f32 from vector<1xf32>
      %mul3A_355 = arith.mulf %reduce_min3A_352, %squeeze3A_354 : f32
      %add3A_356 = arith.addf %add3A_292, %mul3A_355 : f32
      %add3A_357 = arith.constant 3 : i32
      %add3A_358 = arith.addi %mul3A_170, %add3A_357 : i32
      %get3A_359 = arith.index_cast %select_n3A_150 : i32 to index
      %get3A_360 = arith.index_cast %add3A_358 : i32 to index
      %get3A_361 = arith.constant 0 : index
      %get3A_362 = tpu.vector_load %arg9[%get3A_359, %get3A_360, %get3A_361] {strides = array<i32>} : memref<4x64x128xf32, #tpu.memory_space<vmem>>, vector<16xf32>,
      %get3A_363 = arith.index_cast %select_n3A_150 : i32 to index
      %get3A_364 = arith.index_cast %add3A_358 : i32 to index
      %get3A_365 = arith.constant 16 : index
      %get3A_366 = tpu.vector_load %arg9[%get3A_363, %get3A_364, %get3A_365] {strides = array<i32>} : memref<4x64x128xf32, #tpu.memory_space<vmem>>, vector<16xf32>,
      %max3A_367 = arith.maximumf %get3A_362, %get3A_366 : vector<16xf32>
      %min3A_368 = arith.minimumf %get3A_362, %get3A_366 : vector<16xf32>
      %get3A_369 = arith.index_cast %select_n3A_150 : i32 to index
      %get3A_370 = arith.index_cast %add3A_358 : i32 to index
      %get3A_371 = arith.constant 32 : index
      %get3A_372 = tpu.vector_load %arg9[%get3A_369, %get3A_370, %get3A_371] {strides = array<i32>} : memref<4x64x128xf32, #tpu.memory_space<vmem>>, vector<16xf32>,
      %max3A_373 = arith.maximumf %max3A_367, %get3A_372 : vector<16xf32>
      %min3A_374 = arith.minimumf %min3A_368, %get3A_372 : vector<16xf32>
      %get3A_375 = arith.index_cast %select_n3A_150 : i32 to index
      %get3A_376 = arith.index_cast %add3A_358 : i32 to index
      %get3A_377 = arith.constant 48 : index
      %get3A_378 = tpu.vector_load %arg9[%get3A_375, %get3A_376, %get3A_377] {strides = array<i32>} : memref<4x64x128xf32, #tpu.memory_space<vmem>>, vector<16xf32>,
      %max3A_379 = arith.maximumf %max3A_373, %get3A_378 : vector<16xf32>
      %min3A_380 = arith.minimumf %min3A_374, %get3A_378 : vector<16xf32>
      %get3A_381 = arith.index_cast %select_n3A_150 : i32 to index
      %get3A_382 = arith.index_cast %add3A_358 : i32 to index
      %get3A_383 = arith.constant 64 : index
      %get3A_384 = tpu.vector_load %arg9[%get3A_381, %get3A_382, %get3A_383] {strides = array<i32>} : memref<4x64x128xf32, #tpu.memory_space<vmem>>, vector<16xf32>,
      %max3A_385 = arith.maximumf %max3A_379, %get3A_384 : vector<16xf32>
      %min3A_386 = arith.minimumf %min3A_380, %get3A_384 : vector<16xf32>
      %get3A_387 = arith.index_cast %select_n3A_150 : i32 to index
      %get3A_388 = arith.index_cast %add3A_358 : i32 to index
      %get3A_389 = arith.constant 80 : index
      %get3A_390 = tpu.vector_load %arg9[%get3A_387, %get3A_388, %get3A_389] {strides = array<i32>} : memref<4x64x128xf32, #tpu.memory_space<vmem>>, vector<16xf32>,
      %max3A_391 = arith.maximumf %max3A_385, %get3A_390 : vector<16xf32>
      %min3A_392 = arith.minimumf %min3A_386, %get3A_390 : vector<16xf32>
      %get3A_393 = arith.index_cast %select_n3A_150 : i32 to index
      %get3A_394 = arith.index_cast %add3A_358 : i32 to index
      %get3A_395 = arith.constant 96 : index
      %get3A_396 = tpu.vector_load %arg9[%get3A_393, %get3A_394, %get3A_395] {strides = array<i32>} : memref<4x64x128xf32, #tpu.memory_space<vmem>>, vector<16xf32>,
      %max3A_397 = arith.maximumf %max3A_391, %get3A_396 : vector<16xf32>
      %min3A_398 = arith.minimumf %min3A_392, %get3A_396 : vector<16xf32>
      %get3A_399 = arith.index_cast %select_n3A_150 : i32 to index
      %get3A_400 = arith.index_cast %add3A_358 : i32 to index
      %get3A_401 = arith.constant 112 : index
      %get3A_402 = tpu.vector_load %arg9[%get3A_399, %get3A_400, %get3A_401] {strides = array<i32>} : memref<4x64x128xf32, #tpu.memory_space<vmem>>, vector<16xf32>,
      %max3A_403 = arith.maximumf %max3A_397, %get3A_402 : vector<16xf32>
      %min3A_404 = arith.minimumf %min3A_398, %get3A_402 : vector<16xf32>
      %reduce_max3A_405 = arith.constant true
      %reduce_max3A_406 = vector.broadcast %reduce_max3A_405 : i1 to vector<16xi1>
      %reduce_max3A_407 = tpu.scan <max>, %max3A_403 masked %reduce_max3A_406 : vector<16xf32>, vector<16xi1> -> vector<16xf32>
      %reduce_max3A_408 = vector.extract %reduce_max3A_407[15] : f32 from vector<16xf32>
      %slice3A_409 = vector.extract_strided_slice %get3A_153 {offsets = [3], sizes = [1], strides = [1]} : vector<16xf32> to vector<1xf32>
      %squeeze3A_410 = vector.extract %slice3A_409[0] : f32 from vector<1xf32>
      %mul3A_411 = arith.mulf %reduce_max3A_408, %squeeze3A_410 : f32
      %add3A_412 = arith.addf %add3A_348, %mul3A_411 : f32
      %reduce_min3A_413 = arith.constant true
      %reduce_min3A_414 = vector.broadcast %reduce_min3A_413 : i1 to vector<16xi1>
      %reduce_min3A_415 = tpu.scan <min>, %min3A_404 masked %reduce_min3A_414 : vector<16xf32>, vector<16xi1> -> vector<16xf32>
      %reduce_min3A_416 = vector.extract %reduce_min3A_415[15] : f32 from vector<16xf32>
      %slice3A_417 = vector.extract_strided_slice %get3A_153 {offsets = [3], sizes = [1], strides = [1]} : vector<16xf32> to vector<1xf32>
      %squeeze3A_418 = vector.extract %slice3A_417[0] : f32 from vector<1xf32>
      %mul3A_419 = arith.mulf %reduce_min3A_416, %squeeze3A_418 : f32
      %add3A_420 = arith.addf %add3A_356, %mul3A_419 : f32
      %add3A_421 = arith.constant 4 : i32
      %add3A_422 = arith.addi %mul3A_170, %add3A_421 : i32
      %get3A_423 = arith.index_cast %select_n3A_150 : i32 to index
      %get3A_424 = arith.index_cast %add3A_422 : i32 to index
      %get3A_425 = arith.constant 0 : index
      %get3A_426 = tpu.vector_load %arg9[%get3A_423, %get3A_424, %get3A_425] {strides = array<i32>} : memref<4x64x128xf32, #tpu.memory_space<vmem>>, vector<16xf32>,
      %get3A_427 = arith.index_cast %select_n3A_150 : i32 to index
      %get3A_428 = arith.index_cast %add3A_422 : i32 to index
      %get3A_429 = arith.constant 16 : index
      %get3A_430 = tpu.vector_load %arg9[%get3A_427, %get3A_428, %get3A_429] {strides = array<i32>} : memref<4x64x128xf32, #tpu.memory_space<vmem>>, vector<16xf32>,
      %max3A_431 = arith.maximumf %get3A_426, %get3A_430 : vector<16xf32>
      %min3A_432 = arith.minimumf %get3A_426, %get3A_430 : vector<16xf32>
      %get3A_433 = arith.index_cast %select_n3A_150 : i32 to index
      %get3A_434 = arith.index_cast %add3A_422 : i32 to index
      %get3A_435 = arith.constant 32 : index
      %get3A_436 = tpu.vector_load %arg9[%get3A_433, %get3A_434, %get3A_435] {strides = array<i32>} : memref<4x64x128xf32, #tpu.memory_space<vmem>>, vector<16xf32>,
      %max3A_437 = arith.maximumf %max3A_431, %get3A_436 : vector<16xf32>
      %min3A_438 = arith.minimumf %min3A_432, %get3A_436 : vector<16xf32>
      %get3A_439 = arith.index_cast %select_n3A_150 : i32 to index
      %get3A_440 = arith.index_cast %add3A_422 : i32 to index
      %get3A_441 = arith.constant 48 : index
      %get3A_442 = tpu.vector_load %arg9[%get3A_439, %get3A_440, %get3A_441] {strides = array<i32>} : memref<4x64x128xf32, #tpu.memory_space<vmem>>, vector<16xf32>,
      %max3A_443 = arith.maximumf %max3A_437, %get3A_442 : vector<16xf32>
      %min3A_444 = arith.minimumf %min3A_438, %get3A_442 : vector<16xf32>
      %get3A_445 = arith.index_cast %select_n3A_150 : i32 to index
      %get3A_446 = arith.index_cast %add3A_422 : i32 to index
      %get3A_447 = arith.constant 64 : index
      %get3A_448 = tpu.vector_load %arg9[%get3A_445, %get3A_446, %get3A_447] {strides = array<i32>} : memref<4x64x128xf32, #tpu.memory_space<vmem>>, vector<16xf32>,
      %max3A_449 = arith.maximumf %max3A_443, %get3A_448 : vector<16xf32>
      %min3A_450 = arith.minimumf %min3A_444, %get3A_448 : vector<16xf32>
      %get3A_451 = arith.index_cast %select_n3A_150 : i32 to index
      %get3A_452 = arith.index_cast %add3A_422 : i32 to index
      %get3A_453 = arith.constant 80 : index
      %get3A_454 = tpu.vector_load %arg9[%get3A_451, %get3A_452, %get3A_453] {strides = array<i32>} : memref<4x64x128xf32, #tpu.memory_space<vmem>>, vector<16xf32>,
      %max3A_455 = arith.maximumf %max3A_449, %get3A_454 : vector<16xf32>
      %min3A_456 = arith.minimumf %min3A_450, %get3A_454 : vector<16xf32>
      %get3A_457 = arith.index_cast %select_n3A_150 : i32 to index
      %get3A_458 = arith.index_cast %add3A_422 : i32 to index
      %get3A_459 = arith.constant 96 : index
      %get3A_460 = tpu.vector_load %arg9[%get3A_457, %get3A_458, %get3A_459] {strides = array<i32>} : memref<4x64x128xf32, #tpu.memory_space<vmem>>, vector<16xf32>,
      %max3A_461 = arith.maximumf %max3A_455, %get3A_460 : vector<16xf32>
      %min3A_462 = arith.minimumf %min3A_456, %get3A_460 : vector<16xf32>
      %get3A_463 = arith.index_cast %select_n3A_150 : i32 to index
      %get3A_464 = arith.index_cast %add3A_422 : i32 to index
      %get3A_465 = arith.constant 112 : index
      %get3A_466 = tpu.vector_load %arg9[%get3A_463, %get3A_464, %get3A_465] {strides = array<i32>} : memref<4x64x128xf32, #tpu.memory_space<vmem>>, vector<16xf32>,
      %max3A_467 = arith.maximumf %max3A_461, %get3A_466 : vector<16xf32>
      %min3A_468 = arith.minimumf %min3A_462, %get3A_466 : vector<16xf32>
      %reduce_max3A_469 = arith.constant true
      %reduce_max3A_470 = vector.broadcast %reduce_max3A_469 : i1 to vector<16xi1>
      %reduce_max3A_471 = tpu.scan <max>, %max3A_467 masked %reduce_max3A_470 : vector<16xf32>, vector<16xi1> -> vector<16xf32>
      %reduce_max3A_472 = vector.extract %reduce_max3A_471[15] : f32 from vector<16xf32>
      %slice3A_473 = vector.extract_strided_slice %get3A_153 {offsets = [4], sizes = [1], strides = [1]} : vector<16xf32> to vector<1xf32>
      %squeeze3A_474 = vector.extract %slice3A_473[0] : f32 from vector<1xf32>
      %mul3A_475 = arith.mulf %reduce_max3A_472, %squeeze3A_474 : f32
      %add3A_476 = arith.addf %add3A_412, %mul3A_475 : f32
      %reduce_min3A_477 = arith.constant true
      %reduce_min3A_478 = vector.broadcast %reduce_min3A_477 : i1 to vector<16xi1>
      %reduce_min3A_479 = tpu.scan <min>, %min3A_468 masked %reduce_min3A_478 : vector<16xf32>, vector<16xi1> -> vector<16xf32>
      %reduce_min3A_480 = vector.extract %reduce_min3A_479[15] : f32 from vector<16xf32>
      %slice3A_481 = vector.extract_strided_slice %get3A_153 {offsets = [4], sizes = [1], strides = [1]} : vector<16xf32> to vector<1xf32>
      %squeeze3A_482 = vector.extract %slice3A_481[0] : f32 from vector<1xf32>
      %mul3A_483 = arith.mulf %reduce_min3A_480, %squeeze3A_482 : f32
      %add3A_484 = arith.addf %add3A_420, %mul3A_483 : f32
      %add3A_485 = arith.constant 5 : i32
      %add3A_486 = arith.addi %mul3A_170, %add3A_485 : i32
      %get3A_487 = arith.index_cast %select_n3A_150 : i32 to index
      %get3A_488 = arith.index_cast %add3A_486 : i32 to index
      %get3A_489 = arith.constant 0 : index
      %get3A_490 = tpu.vector_load %arg9[%get3A_487, %get3A_488, %get3A_489] {strides = array<i32>} : memref<4x64x128xf32, #tpu.memory_space<vmem>>, vector<16xf32>,
      %get3A_491 = arith.index_cast %select_n3A_150 : i32 to index
      %get3A_492 = arith.index_cast %add3A_486 : i32 to index
      %get3A_493 = arith.constant 16 : index
      %get3A_494 = tpu.vector_load %arg9[%get3A_491, %get3A_492, %get3A_493] {strides = array<i32>} : memref<4x64x128xf32, #tpu.memory_space<vmem>>, vector<16xf32>,
      %max3A_495 = arith.maximumf %get3A_490, %get3A_494 : vector<16xf32>
      %min3A_496 = arith.minimumf %get3A_490, %get3A_494 : vector<16xf32>
      %get3A_497 = arith.index_cast %select_n3A_150 : i32 to index
      %get3A_498 = arith.index_cast %add3A_486 : i32 to index
      %get3A_499 = arith.constant 32 : index
      %get3A_500 = tpu.vector_load %arg9[%get3A_497, %get3A_498, %get3A_499] {strides = array<i32>} : memref<4x64x128xf32, #tpu.memory_space<vmem>>, vector<16xf32>,
      %max3A_501 = arith.maximumf %max3A_495, %get3A_500 : vector<16xf32>
      %min3A_502 = arith.minimumf %min3A_496, %get3A_500 : vector<16xf32>
      %get3A_503 = arith.index_cast %select_n3A_150 : i32 to index
      %get3A_504 = arith.index_cast %add3A_486 : i32 to index
      %get3A_505 = arith.constant 48 : index
      %get3A_506 = tpu.vector_load %arg9[%get3A_503, %get3A_504, %get3A_505] {strides = array<i32>} : memref<4x64x128xf32, #tpu.memory_space<vmem>>, vector<16xf32>,
      %max3A_507 = arith.maximumf %max3A_501, %get3A_506 : vector<16xf32>
      %min3A_508 = arith.minimumf %min3A_502, %get3A_506 : vector<16xf32>
      %get3A_509 = arith.index_cast %select_n3A_150 : i32 to index
      %get3A_510 = arith.index_cast %add3A_486 : i32 to index
      %get3A_511 = arith.constant 64 : index
      %get3A_512 = tpu.vector_load %arg9[%get3A_509, %get3A_510, %get3A_511] {strides = array<i32>} : memref<4x64x128xf32, #tpu.memory_space<vmem>>, vector<16xf32>,
      %max3A_513 = arith.maximumf %max3A_507, %get3A_512 : vector<16xf32>
      %min3A_514 = arith.minimumf %min3A_508, %get3A_512 : vector<16xf32>
      %get3A_515 = arith.index_cast %select_n3A_150 : i32 to index
      %get3A_516 = arith.index_cast %add3A_486 : i32 to index
      %get3A_517 = arith.constant 80 : index
      %get3A_518 = tpu.vector_load %arg9[%get3A_515, %get3A_516, %get3A_517] {strides = array<i32>} : memref<4x64x128xf32, #tpu.memory_space<vmem>>, vector<16xf32>,
      %max3A_519 = arith.maximumf %max3A_513, %get3A_518 : vector<16xf32>
      %min3A_520 = arith.minimumf %min3A_514, %get3A_518 : vector<16xf32>
      %get3A_521 = arith.index_cast %select_n3A_150 : i32 to index
      %get3A_522 = arith.index_cast %add3A_486 : i32 to index
      %get3A_523 = arith.constant 96 : index
      %get3A_524 = tpu.vector_load %arg9[%get3A_521, %get3A_522, %get3A_523] {strides = array<i32>} : memref<4x64x128xf32, #tpu.memory_space<vmem>>, vector<16xf32>,
      %max3A_525 = arith.maximumf %max3A_519, %get3A_524 : vector<16xf32>
      %min3A_526 = arith.minimumf %min3A_520, %get3A_524 : vector<16xf32>
      %get3A_527 = arith.index_cast %select_n3A_150 : i32 to index
      %get3A_528 = arith.index_cast %add3A_486 : i32 to index
      %get3A_529 = arith.constant 112 : index
      %get3A_530 = tpu.vector_load %arg9[%get3A_527, %get3A_528, %get3A_529] {strides = array<i32>} : memref<4x64x128xf32, #tpu.memory_space<vmem>>, vector<16xf32>,
      %max3A_531 = arith.maximumf %max3A_525, %get3A_530 : vector<16xf32>
      %min3A_532 = arith.minimumf %min3A_526, %get3A_530 : vector<16xf32>
      %reduce_max3A_533 = arith.constant true
      %reduce_max3A_534 = vector.broadcast %reduce_max3A_533 : i1 to vector<16xi1>
      %reduce_max3A_535 = tpu.scan <max>, %max3A_531 masked %reduce_max3A_534 : vector<16xf32>, vector<16xi1> -> vector<16xf32>
      %reduce_max3A_536 = vector.extract %reduce_max3A_535[15] : f32 from vector<16xf32>
      %slice3A_537 = vector.extract_strided_slice %get3A_153 {offsets = [5], sizes = [1], strides = [1]} : vector<16xf32> to vector<1xf32>
      %squeeze3A_538 = vector.extract %slice3A_537[0] : f32 from vector<1xf32>
      %mul3A_539 = arith.mulf %reduce_max3A_536, %squeeze3A_538 : f32
      %add3A_540 = arith.addf %add3A_476, %mul3A_539 : f32
      %reduce_min3A_541 = arith.constant true
      %reduce_min3A_542 = vector.broadcast %reduce_min3A_541 : i1 to vector<16xi1>
      %reduce_min3A_543 = tpu.scan <min>, %min3A_532 masked %reduce_min3A_542 : vector<16xf32>, vector<16xi1> -> vector<16xf32>
      %reduce_min3A_544 = vector.extract %reduce_min3A_543[15] : f32 from vector<16xf32>
      %slice3A_545 = vector.extract_strided_slice %get3A_153 {offsets = [5], sizes = [1], strides = [1]} : vector<16xf32> to vector<1xf32>
      %squeeze3A_546 = vector.extract %slice3A_545[0] : f32 from vector<1xf32>
      %mul3A_547 = arith.mulf %reduce_min3A_544, %squeeze3A_546 : f32
      %add3A_548 = arith.addf %add3A_484, %mul3A_547 : f32
      %add3A_549 = arith.constant 6 : i32
      %add3A_550 = arith.addi %mul3A_170, %add3A_549 : i32
      %get3A_551 = arith.index_cast %select_n3A_150 : i32 to index
      %get3A_552 = arith.index_cast %add3A_550 : i32 to index
      %get3A_553 = arith.constant 0 : index
      %get3A_554 = tpu.vector_load %arg9[%get3A_551, %get3A_552, %get3A_553] {strides = array<i32>} : memref<4x64x128xf32, #tpu.memory_space<vmem>>, vector<16xf32>,
      %get3A_555 = arith.index_cast %select_n3A_150 : i32 to index
      %get3A_556 = arith.index_cast %add3A_550 : i32 to index
      %get3A_557 = arith.constant 16 : index
      %get3A_558 = tpu.vector_load %arg9[%get3A_555, %get3A_556, %get3A_557] {strides = array<i32>} : memref<4x64x128xf32, #tpu.memory_space<vmem>>, vector<16xf32>,
      %max3A_559 = arith.maximumf %get3A_554, %get3A_558 : vector<16xf32>
      %min3A_560 = arith.minimumf %get3A_554, %get3A_558 : vector<16xf32>
      %get3A_561 = arith.index_cast %select_n3A_150 : i32 to index
      %get3A_562 = arith.index_cast %add3A_550 : i32 to index
      %get3A_563 = arith.constant 32 : index
      %get3A_564 = tpu.vector_load %arg9[%get3A_561, %get3A_562, %get3A_563] {strides = array<i32>} : memref<4x64x128xf32, #tpu.memory_space<vmem>>, vector<16xf32>,
      %max3A_565 = arith.maximumf %max3A_559, %get3A_564 : vector<16xf32>
      %min3A_566 = arith.minimumf %min3A_560, %get3A_564 : vector<16xf32>
      %get3A_567 = arith.index_cast %select_n3A_150 : i32 to index
      %get3A_568 = arith.index_cast %add3A_550 : i32 to index
      %get3A_569 = arith.constant 48 : index
      %get3A_570 = tpu.vector_load %arg9[%get3A_567, %get3A_568, %get3A_569] {strides = array<i32>} : memref<4x64x128xf32, #tpu.memory_space<vmem>>, vector<16xf32>,
      %max3A_571 = arith.maximumf %max3A_565, %get3A_570 : vector<16xf32>
      %min3A_572 = arith.minimumf %min3A_566, %get3A_570 : vector<16xf32>
      %get3A_573 = arith.index_cast %select_n3A_150 : i32 to index
      %get3A_574 = arith.index_cast %add3A_550 : i32 to index
      %get3A_575 = arith.constant 64 : index
      %get3A_576 = tpu.vector_load %arg9[%get3A_573, %get3A_574, %get3A_575] {strides = array<i32>} : memref<4x64x128xf32, #tpu.memory_space<vmem>>, vector<16xf32>,
      %max3A_577 = arith.maximumf %max3A_571, %get3A_576 : vector<16xf32>
      %min3A_578 = arith.minimumf %min3A_572, %get3A_576 : vector<16xf32>
      %get3A_579 = arith.index_cast %select_n3A_150 : i32 to index
      %get3A_580 = arith.index_cast %add3A_550 : i32 to index
      %get3A_581 = arith.constant 80 : index
      %get3A_582 = tpu.vector_load %arg9[%get3A_579, %get3A_580, %get3A_581] {strides = array<i32>} : memref<4x64x128xf32, #tpu.memory_space<vmem>>, vector<16xf32>,
      %max3A_583 = arith.maximumf %max3A_577, %get3A_582 : vector<16xf32>
      %min3A_584 = arith.minimumf %min3A_578, %get3A_582 : vector<16xf32>
      %get3A_585 = arith.index_cast %select_n3A_150 : i32 to index
      %get3A_586 = arith.index_cast %add3A_550 : i32 to index
      %get3A_587 = arith.constant 96 : index
      %get3A_588 = tpu.vector_load %arg9[%get3A_585, %get3A_586, %get3A_587] {strides = array<i32>} : memref<4x64x128xf32, #tpu.memory_space<vmem>>, vector<16xf32>,
      %max3A_589 = arith.maximumf %max3A_583, %get3A_588 : vector<16xf32>
      %min3A_590 = arith.minimumf %min3A_584, %get3A_588 : vector<16xf32>
      %get3A_591 = arith.index_cast %select_n3A_150 : i32 to index
      %get3A_592 = arith.index_cast %add3A_550 : i32 to index
      %get3A_593 = arith.constant 112 : index
      %get3A_594 = tpu.vector_load %arg9[%get3A_591, %get3A_592, %get3A_593] {strides = array<i32>} : memref<4x64x128xf32, #tpu.memory_space<vmem>>, vector<16xf32>,
      %max3A_595 = arith.maximumf %max3A_589, %get3A_594 : vector<16xf32>
      %min3A_596 = arith.minimumf %min3A_590, %get3A_594 : vector<16xf32>
      %reduce_max3A_597 = arith.constant true
      %reduce_max3A_598 = vector.broadcast %reduce_max3A_597 : i1 to vector<16xi1>
      %reduce_max3A_599 = tpu.scan <max>, %max3A_595 masked %reduce_max3A_598 : vector<16xf32>, vector<16xi1> -> vector<16xf32>
      %reduce_max3A_600 = vector.extract %reduce_max3A_599[15] : f32 from vector<16xf32>
      %slice3A_601 = vector.extract_strided_slice %get3A_153 {offsets = [6], sizes = [1], strides = [1]} : vector<16xf32> to vector<1xf32>
      %squeeze3A_602 = vector.extract %slice3A_601[0] : f32 from vector<1xf32>
      %mul3A_603 = arith.mulf %reduce_max3A_600, %squeeze3A_602 : f32
      %add3A_604 = arith.addf %add3A_540, %mul3A_603 : f32
      %reduce_min3A_605 = arith.constant true
      %reduce_min3A_606 = vector.broadcast %reduce_min3A_605 : i1 to vector<16xi1>
      %reduce_min3A_607 = tpu.scan <min>, %min3A_596 masked %reduce_min3A_606 : vector<16xf32>, vector<16xi1> -> vector<16xf32>
      %reduce_min3A_608 = vector.extract %reduce_min3A_607[15] : f32 from vector<16xf32>
      %slice3A_609 = vector.extract_strided_slice %get3A_153 {offsets = [6], sizes = [1], strides = [1]} : vector<16xf32> to vector<1xf32>
      %squeeze3A_610 = vector.extract %slice3A_609[0] : f32 from vector<1xf32>
      %mul3A_611 = arith.mulf %reduce_min3A_608, %squeeze3A_610 : f32
      %add3A_612 = arith.addf %add3A_548, %mul3A_611 : f32
      %add3A_613 = arith.constant 7 : i32
      %add3A_614 = arith.addi %mul3A_170, %add3A_613 : i32
      %get3A_615 = arith.index_cast %select_n3A_150 : i32 to index
      %get3A_616 = arith.index_cast %add3A_614 : i32 to index
      %get3A_617 = arith.constant 0 : index
      %get3A_618 = tpu.vector_load %arg9[%get3A_615, %get3A_616, %get3A_617] {strides = array<i32>} : memref<4x64x128xf32, #tpu.memory_space<vmem>>, vector<16xf32>,
      %get3A_619 = arith.index_cast %select_n3A_150 : i32 to index
      %get3A_620 = arith.index_cast %add3A_614 : i32 to index
      %get3A_621 = arith.constant 16 : index
      %get3A_622 = tpu.vector_load %arg9[%get3A_619, %get3A_620, %get3A_621] {strides = array<i32>} : memref<4x64x128xf32, #tpu.memory_space<vmem>>, vector<16xf32>,
      %max3A_623 = arith.maximumf %get3A_618, %get3A_622 : vector<16xf32>
      %min3A_624 = arith.minimumf %get3A_618, %get3A_622 : vector<16xf32>
      %get3A_625 = arith.index_cast %select_n3A_150 : i32 to index
      %get3A_626 = arith.index_cast %add3A_614 : i32 to index
      %get3A_627 = arith.constant 32 : index
      %get3A_628 = tpu.vector_load %arg9[%get3A_625, %get3A_626, %get3A_627] {strides = array<i32>} : memref<4x64x128xf32, #tpu.memory_space<vmem>>, vector<16xf32>,
      %max3A_629 = arith.maximumf %max3A_623, %get3A_628 : vector<16xf32>
      %min3A_630 = arith.minimumf %min3A_624, %get3A_628 : vector<16xf32>
      %get3A_631 = arith.index_cast %select_n3A_150 : i32 to index
      %get3A_632 = arith.index_cast %add3A_614 : i32 to index
      %get3A_633 = arith.constant 48 : index
      %get3A_634 = tpu.vector_load %arg9[%get3A_631, %get3A_632, %get3A_633] {strides = array<i32>} : memref<4x64x128xf32, #tpu.memory_space<vmem>>, vector<16xf32>,
      %max3A_635 = arith.maximumf %max3A_629, %get3A_634 : vector<16xf32>
      %min3A_636 = arith.minimumf %min3A_630, %get3A_634 : vector<16xf32>
      %get3A_637 = arith.index_cast %select_n3A_150 : i32 to index
      %get3A_638 = arith.index_cast %add3A_614 : i32 to index
      %get3A_639 = arith.constant 64 : index
      %get3A_640 = tpu.vector_load %arg9[%get3A_637, %get3A_638, %get3A_639] {strides = array<i32>} : memref<4x64x128xf32, #tpu.memory_space<vmem>>, vector<16xf32>,
      %max3A_641 = arith.maximumf %max3A_635, %get3A_640 : vector<16xf32>
      %min3A_642 = arith.minimumf %min3A_636, %get3A_640 : vector<16xf32>
      %get3A_643 = arith.index_cast %select_n3A_150 : i32 to index
      %get3A_644 = arith.index_cast %add3A_614 : i32 to index
      %get3A_645 = arith.constant 80 : index
      %get3A_646 = tpu.vector_load %arg9[%get3A_643, %get3A_644, %get3A_645] {strides = array<i32>} : memref<4x64x128xf32, #tpu.memory_space<vmem>>, vector<16xf32>,
      %max3A_647 = arith.maximumf %max3A_641, %get3A_646 : vector<16xf32>
      %min3A_648 = arith.minimumf %min3A_642, %get3A_646 : vector<16xf32>
      %get3A_649 = arith.index_cast %select_n3A_150 : i32 to index
      %get3A_650 = arith.index_cast %add3A_614 : i32 to index
      %get3A_651 = arith.constant 96 : index
      %get3A_652 = tpu.vector_load %arg9[%get3A_649, %get3A_650, %get3A_651] {strides = array<i32>} : memref<4x64x128xf32, #tpu.memory_space<vmem>>, vector<16xf32>,
      %max3A_653 = arith.maximumf %max3A_647, %get3A_652 : vector<16xf32>
      %min3A_654 = arith.minimumf %min3A_648, %get3A_652 : vector<16xf32>
      %get3A_655 = arith.index_cast %select_n3A_150 : i32 to index
      %get3A_656 = arith.index_cast %add3A_614 : i32 to index
      %get3A_657 = arith.constant 112 : index
      %get3A_658 = tpu.vector_load %arg9[%get3A_655, %get3A_656, %get3A_657] {strides = array<i32>} : memref<4x64x128xf32, #tpu.memory_space<vmem>>, vector<16xf32>,
      %max3A_659 = arith.maximumf %max3A_653, %get3A_658 : vector<16xf32>
      %min3A_660 = arith.minimumf %min3A_654, %get3A_658 : vector<16xf32>
      %reduce_max3A_661 = arith.constant true
      %reduce_max3A_662 = vector.broadcast %reduce_max3A_661 : i1 to vector<16xi1>
      %reduce_max3A_663 = tpu.scan <max>, %max3A_659 masked %reduce_max3A_662 : vector<16xf32>, vector<16xi1> -> vector<16xf32>
      %reduce_max3A_664 = vector.extract %reduce_max3A_663[15] : f32 from vector<16xf32>
      %slice3A_665 = vector.extract_strided_slice %get3A_153 {offsets = [7], sizes = [1], strides = [1]} : vector<16xf32> to vector<1xf32>
      %squeeze3A_666 = vector.extract %slice3A_665[0] : f32 from vector<1xf32>
      %mul3A_667 = arith.mulf %reduce_max3A_664, %squeeze3A_666 : f32
      %add3A_668 = arith.addf %add3A_604, %mul3A_667 : f32
      %reduce_min3A_669 = arith.constant true
      %reduce_min3A_670 = vector.broadcast %reduce_min3A_669 : i1 to vector<16xi1>
      %reduce_min3A_671 = tpu.scan <min>, %min3A_660 masked %reduce_min3A_670 : vector<16xf32>, vector<16xi1> -> vector<16xf32>
      %reduce_min3A_672 = vector.extract %reduce_min3A_671[15] : f32 from vector<16xf32>
      %slice3A_673 = vector.extract_strided_slice %get3A_153 {offsets = [7], sizes = [1], strides = [1]} : vector<16xf32> to vector<1xf32>
      %squeeze3A_674 = vector.extract %slice3A_673[0] : f32 from vector<1xf32>
      %mul3A_675 = arith.mulf %reduce_min3A_672, %squeeze3A_674 : f32
      %add3A_676 = arith.addf %add3A_612, %mul3A_675 : f32
      scf.yield %add3A_668, %add3A_676 : f32, f32
    }
    %scan3A_105 = arith.constant 32 : i32
    %eq3A = arith.constant 0 : i32
    %eq3A_106 = vector.broadcast %eq3A : i32 to vector<16xi32>
    %eq3A_107 = arith.cmpi eq, %iota3A, %eq3A_106 : vector<16xi32>
    %broadcast_in_dim3A_108 = vector.broadcast %scan3A_104#0 : f32 to vector<16xf32>
    %broadcast_in_dim3A_109 = vector.broadcast %scan3A_104#1 : f32 to vector<16xf32>
    %select_n3A = arith.select %eq3A_107, %broadcast_in_dim3A_108, %broadcast_in_dim3A_109 : vector<16xi1>, vector<16xf32>
    %swap3A = arith.constant 0 : index
    %swap3A_110 = tpu.vector_load %arg10[%swap3A] {strides = array<i32>} : memref<16xf32, #tpu.memory_space<vmem>>, vector<16xf32>,
    tpu.vector_store %arg10[%swap3A], %select_n3A {strides = array<i32>} : memref<16xf32, #tpu.memory_space<vmem>>, vector<16xf32>,
    %swap3A_111 = arith.constant 0 : index
    %swap3A_112 = tpu.vector_load %arg11[%swap3A_111] {strides = array<i32>} : memref<16xi32, #tpu.memory_space<vmem>>, vector<16xi32>,
    tpu.vector_store %arg11[%swap3A_111], %scan3A_69 {strides = array<i32>} : memref<16xi32, #tpu.memory_space<vmem>>, vector<16xi32>,
    "tpu.region"() ({
      %run_scoped3A = tpu.sem_alloc : memref<!tpu.dma_semaphore, #tpu.memory_space<semaphore_mem>>
      %dma_start3A_113 = arith.constant 0 : i32
      %dma_start3A_114 = tpu.memref_slice %arg4[%add3A, %dma_start3A_113] : memref<32x16xf32, #tpu.memory_space<hbm>> -> memref<1x16xf32, #tpu.memory_space<hbm>>
      %dma_start3A_115 = tpu.memref_squeeze %dma_start3A_114 : memref<1x16xf32, #tpu.memory_space<hbm>> -> memref<16xf32, #tpu.memory_space<hbm>>
      %dma_start3A_116 = arith.constant 0 : i32
      %dma_start3A_117 = tpu.memref_slice %arg4[%add3A, %dma_start3A_116] : memref<32x16xf32, #tpu.memory_space<hbm>> -> memref<1x16xf32, #tpu.memory_space<hbm>>
      %dma_start3A_118 = tpu.memref_squeeze %dma_start3A_117 : memref<1x16xf32, #tpu.memory_space<hbm>> -> memref<16xf32, #tpu.memory_space<hbm>>
      tpu.enqueue_dma source(%arg10 : memref<16xf32, #tpu.memory_space<vmem>>) target(%dma_start3A_118 : memref<16xf32, #tpu.memory_space<hbm>>) target_semaphore(%run_scoped3A : memref<!tpu.dma_semaphore, #tpu.memory_space<semaphore_mem>>)
      %dma_wait3A = arith.constant 0 : i32
      %dma_wait3A_119 = tpu.memref_slice %arg4[%add3A, %dma_wait3A] : memref<32x16xf32, #tpu.memory_space<hbm>> -> memref<1x16xf32, #tpu.memory_space<hbm>>
      %dma_wait3A_120 = tpu.memref_squeeze %dma_wait3A_119 : memref<1x16xf32, #tpu.memory_space<hbm>> -> memref<16xf32, #tpu.memory_space<hbm>>
      %dma_wait3A_121 = arith.constant 0 : i32
      %dma_wait3A_122 = tpu.memref_slice %arg4[%add3A, %dma_wait3A_121] : memref<32x16xf32, #tpu.memory_space<hbm>> -> memref<1x16xf32, #tpu.memory_space<hbm>>
      %dma_wait3A_123 = tpu.memref_squeeze %dma_wait3A_122 : memref<1x16xf32, #tpu.memory_space<hbm>> -> memref<16xf32, #tpu.memory_space<hbm>>
      tpu.wait_dma2 semaphore(%run_scoped3A : memref<!tpu.dma_semaphore, #tpu.memory_space<semaphore_mem>>) src(%arg10 : memref<16xf32, #tpu.memory_space<vmem>>) dst(%dma_wait3A_123 : memref<16xf32, #tpu.memory_space<hbm>>)
      tpu.yield
    }) : () -> ()
    "tpu.region"() ({
      %run_scoped3A = tpu.sem_alloc : memref<!tpu.dma_semaphore, #tpu.memory_space<semaphore_mem>>
      %dma_start3A_113 = arith.constant 0 : i32
      %dma_start3A_114 = tpu.memref_slice %arg5[%add3A, %dma_start3A_113] : memref<32x16xi32, #tpu.memory_space<hbm>> -> memref<1x16xi32, #tpu.memory_space<hbm>>
      %dma_start3A_115 = tpu.memref_squeeze %dma_start3A_114 : memref<1x16xi32, #tpu.memory_space<hbm>> -> memref<16xi32, #tpu.memory_space<hbm>>
      %dma_start3A_116 = arith.constant 0 : i32
      %dma_start3A_117 = tpu.memref_slice %arg5[%add3A, %dma_start3A_116] : memref<32x16xi32, #tpu.memory_space<hbm>> -> memref<1x16xi32, #tpu.memory_space<hbm>>
      %dma_start3A_118 = tpu.memref_squeeze %dma_start3A_117 : memref<1x16xi32, #tpu.memory_space<hbm>> -> memref<16xi32, #tpu.memory_space<hbm>>
      tpu.enqueue_dma source(%arg11 : memref<16xi32, #tpu.memory_space<vmem>>) target(%dma_start3A_118 : memref<16xi32, #tpu.memory_space<hbm>>) target_semaphore(%run_scoped3A : memref<!tpu.dma_semaphore, #tpu.memory_space<semaphore_mem>>)
      %dma_wait3A = arith.constant 0 : i32
      %dma_wait3A_119 = tpu.memref_slice %arg5[%add3A, %dma_wait3A] : memref<32x16xi32, #tpu.memory_space<hbm>> -> memref<1x16xi32, #tpu.memory_space<hbm>>
      %dma_wait3A_120 = tpu.memref_squeeze %dma_wait3A_119 : memref<1x16xi32, #tpu.memory_space<hbm>> -> memref<16xi32, #tpu.memory_space<hbm>>
      %dma_wait3A_121 = arith.constant 0 : i32
      %dma_wait3A_122 = tpu.memref_slice %arg5[%add3A, %dma_wait3A_121] : memref<32x16xi32, #tpu.memory_space<hbm>> -> memref<1x16xi32, #tpu.memory_space<hbm>>
      %dma_wait3A_123 = tpu.memref_squeeze %dma_wait3A_122 : memref<1x16xi32, #tpu.memory_space<hbm>> -> memref<16xi32, #tpu.memory_space<hbm>>
      tpu.wait_dma2 semaphore(%run_scoped3A : memref<!tpu.dma_semaphore, #tpu.memory_space<semaphore_mem>>) src(%arg11 : memref<16xi32, #tpu.memory_space<vmem>>) dst(%dma_wait3A_123 : memref<16xi32, #tpu.memory_space<hbm>>)
      tpu.yield
    }) : () -> ()
    return
  }
}

module attributes {stable_mosaic.version = 14 : i64} {
  func.func @_combine_body(%arg0: memref<32x16xf32, #tpu.memory_space<vmem>>, %arg1: memref<32x16xi32, #tpu.memory_space<vmem>>, %arg2: memref<1x1xf32, #tpu.memory_space<vmem>>, %arg3: memref<1x1xf32, #tpu.memory_space<vmem>>) attributes {dimension_semantics = [], scalar_prefetch = 0 : i64, scratch_operands = 0 : i64, tpu.core_type = #tpu.core_type<tc>} {
    %get3A = arith.constant 0 : index
    %get3A_0 = arith.constant 0 : index
    %get3A_1 = vector.load %arg0[%get3A, %get3A_0] : memref<32x16xf32, #tpu.memory_space<vmem>>, vector<32x16xf32>
    %get3A_2 = arith.constant 0 : index
    %get3A_3 = arith.constant 0 : index
    %get3A_4 = vector.load %arg1[%get3A_2, %get3A_3] : memref<32x16xi32, #tpu.memory_space<vmem>>, vector<32x16xi32>
    %iota3A = tpu.iota {dimensions = array<i32: 1>} : vector<32x16xi32>
    %eq3A = arith.constant 0 : i32
    %eq3A_5 = vector.broadcast %eq3A : i32 to vector<32x16xi32>
    %eq3A_6 = arith.cmpi eq, %iota3A, %eq3A_5 : vector<32x16xi32>
    %jit3A = arith.constant 0.000000e+00 : f32
    %broadcast_in_dim3A = vector.broadcast %jit3A : f32 to vector<32x16xf32>
    %select_n3A = arith.select %eq3A_6, %get3A_1, %broadcast_in_dim3A : vector<32x16xi1>, vector<32x16xf32>
    %reduce_sum3A = vector.shape_cast %select_n3A : vector<32x16xf32> to vector<1x32x16xf32>
    %reduce_sum3A_7 = arith.constant dense<0.000000e+00> : vector<1xf32>
    %reduce_sum3A_8 = vector.multi_reduction <add>, %reduce_sum3A, %reduce_sum3A_7 [1, 2] : vector<1x32x16xf32> to vector<1xf32>
    %reduce_sum3A_9 = vector.shape_cast %reduce_sum3A_8 : vector<1xf32> to vector<1x1x1xf32>
    %reduce_sum3A_10 = vector.extract %reduce_sum3A_9[0, 0, 0] : f32 from vector<1x1x1xf32>
    %eq3A_11 = arith.constant 1 : i32
    %eq3A_12 = vector.broadcast %eq3A_11 : i32 to vector<32x16xi32>
    %eq3A_13 = arith.cmpi eq, %iota3A, %eq3A_12 : vector<32x16xi32>
    %jit3A_14 = arith.constant 0.000000e+00 : f32
    %broadcast_in_dim3A_15 = vector.broadcast %jit3A_14 : f32 to vector<32x16xf32>
    %select_n3A_16 = arith.select %eq3A_13, %get3A_1, %broadcast_in_dim3A_15 : vector<32x16xi1>, vector<32x16xf32>
    %reduce_sum3A_17 = vector.shape_cast %select_n3A_16 : vector<32x16xf32> to vector<1x32x16xf32>
    %reduce_sum3A_18 = arith.constant dense<0.000000e+00> : vector<1xf32>
    %reduce_sum3A_19 = vector.multi_reduction <add>, %reduce_sum3A_17, %reduce_sum3A_18 [1, 2] : vector<1x32x16xf32> to vector<1xf32>
    %reduce_sum3A_20 = vector.shape_cast %reduce_sum3A_19 : vector<1xf32> to vector<1x1x1xf32>
    %reduce_sum3A_21 = vector.extract %reduce_sum3A_20[0, 0, 0] : f32 from vector<1x1x1xf32>
    %shift_right_arithmetic3A = arith.constant 0 : i32
    %shift_right_arithmetic3A_22 = vector.broadcast %shift_right_arithmetic3A : i32 to vector<32x16xi32>
    %shift_right_arithmetic3A_23 = arith.shrsi %get3A_4, %shift_right_arithmetic3A_22 : vector<32x16xi32>
    %and3A = arith.constant 1 : i32
    %and3A_24 = vector.broadcast %and3A : i32 to vector<32x16xi32>
    %and3A_25 = arith.andi %shift_right_arithmetic3A_23, %and3A_24 : vector<32x16xi32>
    %reduce_max3A = vector.shape_cast %and3A_25 : vector<32x16xi32> to vector<1x32x16xi32>
    %reduce_max3A_26 = arith.constant dense<-2147483648> : vector<1xi32>
    %reduce_max3A_27 = vector.multi_reduction <maxsi>, %reduce_max3A, %reduce_max3A_26 [1, 2] : vector<1x32x16xi32> to vector<1xi32>
    %reduce_max3A_28 = vector.shape_cast %reduce_max3A_27 : vector<1xi32> to vector<1x1x1xi32>
    %reduce_max3A_29 = vector.extract %reduce_max3A_28[0, 0, 0] : i32 from vector<1x1x1xi32>
    %add3A = arith.constant 0 : i32
    %add3A_30 = arith.addi %add3A, %reduce_max3A_29 : i32
    %shift_right_arithmetic3A_31 = arith.constant 1 : i32
    %shift_right_arithmetic3A_32 = vector.broadcast %shift_right_arithmetic3A_31 : i32 to vector<32x16xi32>
    %shift_right_arithmetic3A_33 = arith.shrsi %get3A_4, %shift_right_arithmetic3A_32 : vector<32x16xi32>
    %and3A_34 = arith.constant 1 : i32
    %and3A_35 = vector.broadcast %and3A_34 : i32 to vector<32x16xi32>
    %and3A_36 = arith.andi %shift_right_arithmetic3A_33, %and3A_35 : vector<32x16xi32>
    %reduce_max3A_37 = vector.shape_cast %and3A_36 : vector<32x16xi32> to vector<1x32x16xi32>
    %reduce_max3A_38 = arith.constant dense<-2147483648> : vector<1xi32>
    %reduce_max3A_39 = vector.multi_reduction <maxsi>, %reduce_max3A_37, %reduce_max3A_38 [1, 2] : vector<1x32x16xi32> to vector<1xi32>
    %reduce_max3A_40 = vector.shape_cast %reduce_max3A_39 : vector<1xi32> to vector<1x1x1xi32>
    %reduce_max3A_41 = vector.extract %reduce_max3A_40[0, 0, 0] : i32 from vector<1x1x1xi32>
    %add3A_42 = arith.addi %add3A_30, %reduce_max3A_41 : i32
    %shift_right_arithmetic3A_43 = arith.constant 2 : i32
    %shift_right_arithmetic3A_44 = vector.broadcast %shift_right_arithmetic3A_43 : i32 to vector<32x16xi32>
    %shift_right_arithmetic3A_45 = arith.shrsi %get3A_4, %shift_right_arithmetic3A_44 : vector<32x16xi32>
    %and3A_46 = arith.constant 1 : i32
    %and3A_47 = vector.broadcast %and3A_46 : i32 to vector<32x16xi32>
    %and3A_48 = arith.andi %shift_right_arithmetic3A_45, %and3A_47 : vector<32x16xi32>
    %reduce_max3A_49 = vector.shape_cast %and3A_48 : vector<32x16xi32> to vector<1x32x16xi32>
    %reduce_max3A_50 = arith.constant dense<-2147483648> : vector<1xi32>
    %reduce_max3A_51 = vector.multi_reduction <maxsi>, %reduce_max3A_49, %reduce_max3A_50 [1, 2] : vector<1x32x16xi32> to vector<1xi32>
    %reduce_max3A_52 = vector.shape_cast %reduce_max3A_51 : vector<1xi32> to vector<1x1x1xi32>
    %reduce_max3A_53 = vector.extract %reduce_max3A_52[0, 0, 0] : i32 from vector<1x1x1xi32>
    %add3A_54 = arith.addi %add3A_42, %reduce_max3A_53 : i32
    %shift_right_arithmetic3A_55 = arith.constant 3 : i32
    %shift_right_arithmetic3A_56 = vector.broadcast %shift_right_arithmetic3A_55 : i32 to vector<32x16xi32>
    %shift_right_arithmetic3A_57 = arith.shrsi %get3A_4, %shift_right_arithmetic3A_56 : vector<32x16xi32>
    %and3A_58 = arith.constant 1 : i32
    %and3A_59 = vector.broadcast %and3A_58 : i32 to vector<32x16xi32>
    %and3A_60 = arith.andi %shift_right_arithmetic3A_57, %and3A_59 : vector<32x16xi32>
    %reduce_max3A_61 = vector.shape_cast %and3A_60 : vector<32x16xi32> to vector<1x32x16xi32>
    %reduce_max3A_62 = arith.constant dense<-2147483648> : vector<1xi32>
    %reduce_max3A_63 = vector.multi_reduction <maxsi>, %reduce_max3A_61, %reduce_max3A_62 [1, 2] : vector<1x32x16xi32> to vector<1xi32>
    %reduce_max3A_64 = vector.shape_cast %reduce_max3A_63 : vector<1xi32> to vector<1x1x1xi32>
    %reduce_max3A_65 = vector.extract %reduce_max3A_64[0, 0, 0] : i32 from vector<1x1x1xi32>
    %add3A_66 = arith.addi %add3A_54, %reduce_max3A_65 : i32
    %shift_right_arithmetic3A_67 = arith.constant 4 : i32
    %shift_right_arithmetic3A_68 = vector.broadcast %shift_right_arithmetic3A_67 : i32 to vector<32x16xi32>
    %shift_right_arithmetic3A_69 = arith.shrsi %get3A_4, %shift_right_arithmetic3A_68 : vector<32x16xi32>
    %and3A_70 = arith.constant 1 : i32
    %and3A_71 = vector.broadcast %and3A_70 : i32 to vector<32x16xi32>
    %and3A_72 = arith.andi %shift_right_arithmetic3A_69, %and3A_71 : vector<32x16xi32>
    %reduce_max3A_73 = vector.shape_cast %and3A_72 : vector<32x16xi32> to vector<1x32x16xi32>
    %reduce_max3A_74 = arith.constant dense<-2147483648> : vector<1xi32>
    %reduce_max3A_75 = vector.multi_reduction <maxsi>, %reduce_max3A_73, %reduce_max3A_74 [1, 2] : vector<1x32x16xi32> to vector<1xi32>
    %reduce_max3A_76 = vector.shape_cast %reduce_max3A_75 : vector<1xi32> to vector<1x1x1xi32>
    %reduce_max3A_77 = vector.extract %reduce_max3A_76[0, 0, 0] : i32 from vector<1x1x1xi32>
    %add3A_78 = arith.addi %add3A_66, %reduce_max3A_77 : i32
    %shift_right_arithmetic3A_79 = arith.constant 5 : i32
    %shift_right_arithmetic3A_80 = vector.broadcast %shift_right_arithmetic3A_79 : i32 to vector<32x16xi32>
    %shift_right_arithmetic3A_81 = arith.shrsi %get3A_4, %shift_right_arithmetic3A_80 : vector<32x16xi32>
    %and3A_82 = arith.constant 1 : i32
    %and3A_83 = vector.broadcast %and3A_82 : i32 to vector<32x16xi32>
    %and3A_84 = arith.andi %shift_right_arithmetic3A_81, %and3A_83 : vector<32x16xi32>
    %reduce_max3A_85 = vector.shape_cast %and3A_84 : vector<32x16xi32> to vector<1x32x16xi32>
    %reduce_max3A_86 = arith.constant dense<-2147483648> : vector<1xi32>
    %reduce_max3A_87 = vector.multi_reduction <maxsi>, %reduce_max3A_85, %reduce_max3A_86 [1, 2] : vector<1x32x16xi32> to vector<1xi32>
    %reduce_max3A_88 = vector.shape_cast %reduce_max3A_87 : vector<1xi32> to vector<1x1x1xi32>
    %reduce_max3A_89 = vector.extract %reduce_max3A_88[0, 0, 0] : i32 from vector<1x1x1xi32>
    %add3A_90 = arith.addi %add3A_78, %reduce_max3A_89 : i32
    %shift_right_arithmetic3A_91 = arith.constant 6 : i32
    %shift_right_arithmetic3A_92 = vector.broadcast %shift_right_arithmetic3A_91 : i32 to vector<32x16xi32>
    %shift_right_arithmetic3A_93 = arith.shrsi %get3A_4, %shift_right_arithmetic3A_92 : vector<32x16xi32>
    %and3A_94 = arith.constant 1 : i32
    %and3A_95 = vector.broadcast %and3A_94 : i32 to vector<32x16xi32>
    %and3A_96 = arith.andi %shift_right_arithmetic3A_93, %and3A_95 : vector<32x16xi32>
    %reduce_max3A_97 = vector.shape_cast %and3A_96 : vector<32x16xi32> to vector<1x32x16xi32>
    %reduce_max3A_98 = arith.constant dense<-2147483648> : vector<1xi32>
    %reduce_max3A_99 = vector.multi_reduction <maxsi>, %reduce_max3A_97, %reduce_max3A_98 [1, 2] : vector<1x32x16xi32> to vector<1xi32>
    %reduce_max3A_100 = vector.shape_cast %reduce_max3A_99 : vector<1xi32> to vector<1x1x1xi32>
    %reduce_max3A_101 = vector.extract %reduce_max3A_100[0, 0, 0] : i32 from vector<1x1x1xi32>
    %add3A_102 = arith.addi %add3A_90, %reduce_max3A_101 : i32
    %shift_right_arithmetic3A_103 = arith.constant 7 : i32
    %shift_right_arithmetic3A_104 = vector.broadcast %shift_right_arithmetic3A_103 : i32 to vector<32x16xi32>
    %shift_right_arithmetic3A_105 = arith.shrsi %get3A_4, %shift_right_arithmetic3A_104 : vector<32x16xi32>
    %and3A_106 = arith.constant 1 : i32
    %and3A_107 = vector.broadcast %and3A_106 : i32 to vector<32x16xi32>
    %and3A_108 = arith.andi %shift_right_arithmetic3A_105, %and3A_107 : vector<32x16xi32>
    %reduce_max3A_109 = vector.shape_cast %and3A_108 : vector<32x16xi32> to vector<1x32x16xi32>
    %reduce_max3A_110 = arith.constant dense<-2147483648> : vector<1xi32>
    %reduce_max3A_111 = vector.multi_reduction <maxsi>, %reduce_max3A_109, %reduce_max3A_110 [1, 2] : vector<1x32x16xi32> to vector<1xi32>
    %reduce_max3A_112 = vector.shape_cast %reduce_max3A_111 : vector<1xi32> to vector<1x1x1xi32>
    %reduce_max3A_113 = vector.extract %reduce_max3A_112[0, 0, 0] : i32 from vector<1x1x1xi32>
    %add3A_114 = arith.addi %add3A_102, %reduce_max3A_113 : i32
    %convert_element_type3A = arith.sitofp %add3A_114 : i32 to f32
    %mul3A = arith.constant 8.192000e+03 : f32
    %mul3A_115 = arith.mulf %convert_element_type3A, %mul3A : f32
    %neg3A = arith.constant 0.000000e+00 : f32
    %neg3A_116 = arith.subf %neg3A, %reduce_sum3A_10 : f32
    %div3A = arith.divf %neg3A_116, %mul3A_115 : f32
    %broadcast_in_dim3A_117 = vector.broadcast %div3A : f32 to vector<1x1xf32>
    %swap3A = arith.constant 0 : index
    %swap3A_118 = arith.constant 0 : index
    %swap3A_119 = vector.load %arg2[%swap3A, %swap3A_118] : memref<1x1xf32, #tpu.memory_space<vmem>>, vector<1x1xf32>
    tpu.vector_store %arg2[%swap3A, %swap3A_118], %broadcast_in_dim3A_117 {strides = array<i32>} : memref<1x1xf32, #tpu.memory_space<vmem>>, vector<1x1xf32>,
    %div3A_120 = arith.divf %reduce_sum3A_21, %mul3A_115 : f32
    %broadcast_in_dim3A_121 = vector.broadcast %div3A_120 : f32 to vector<1x1xf32>
    %swap3A_122 = arith.constant 0 : index
    %swap3A_123 = arith.constant 0 : index
    %swap3A_124 = vector.load %arg3[%swap3A_122, %swap3A_123] : memref<1x1xf32, #tpu.memory_space<vmem>>, vector<1x1xf32>
    tpu.vector_store %arg3[%swap3A_122, %swap3A_123], %broadcast_in_dim3A_121 {strides = array<i32>} : memref<1x1xf32, #tpu.memory_space<vmem>>, vector<1x1xf32>,
    return
  }
}

</mosaic_0001>

<sc_bundles>
// kernel: kernel.4.cloned.1.call-start
scs
__scs_entry_jumppad:
0x0: {  	(pc) =	sbr.rel $0x88, $3  }
0x1: {  	(tag) =	ssettag $0x0;
	lr =	simm.s32 $0x1  }
0x2: {  	[smem:$0x3F9F] =	sst lr;
	_ =	strace $0xD0000000  }
0x3: {  	_ = 	snop  }
0x4: {  	_ = 	snop  }
0x5: {  	_ = 	snop  }
0x6: {  	_ = 	snop  }
0x7: {  	_ = 	snop  }
__scs_overlays_trampoline_lowered:
0x8: {  	[smem:$0x3FAE] =	sst s0  }
0x9: {  	[smem:$0x3FAF] =	sst s1  }
0xa: {  	[smem:$0x3FB0] =	sst s2  }
0xb: {  	[smem:$0x3FB1] =	sst s3  }
0xc: {  	[smem:$0x3FB2] =	sst s4  }
0xd: {  	[smem:$0x3FB3] =	sst s5  }
0xe: {  	[smem:$0x3FB4] =	sst s6  }
0xf: {  	[smem:$0x3FB5] =	sst s7  }
0x10: {  	[smem:$0x3FB6] =	sst s8  }
0x11: {  	[smem:$0x3FB7] =	sst s9;
	s0 =	simm.s32 @!p0 $0x0  }
0x12: {  	s1 =	sld [smem:$0x3F9D];
	s0 =	simm.s32 @p0 $0x1  }
0x13: {  	[smem:$0x3FB8] =	sst s0;
	s0 =	simm.s32 @!p1 $0x0  }
0x14: {  	s2 =	sld [smem:$0x3F9C];
	s0 =	simm.s32 @p1 $0x1  }
0x15: {  	[smem:$0x3FB9] =	sst s0;
	s0 =	simm.s32 @!p2 $0x0  }
0x16: {  	s3 =	sld [smem:$0x3FDB];
	s0 =	simm.s32 @p2 $0x1  }
0x17: {  	s4 =	simm.s32 $0x1BF5;
	[smem:$0x3FBB] =	sst s0  }
0x18: {  	s0 =	sld [smem:$0x3F9E];
	_ =	swait.ge [sflag:s4], $0x0  }
0x19: {  	s7 =	sld [smem:$0x3F9F]  }
0x1a: {  	s8 =	sadd.s32 $0xFFFFE003, lr  }
0x1b: {  	s9 =	sadd.s32 $0xFFFFFEF7, lr;
	s5 =	simm.s32 $0xFFFFFFFF;
	p2 =	slt.u32 s8, $0xFFFFF086  }
0x1c: {  	p1 =	slt.u32 s9, $0xF7A;
	s5 =	simm.s32 @!p2 $0x0  }
0x1d: {  	s5 =	simm.s32 @p1 $0x1;
	p0 =	seq.s32 s7, s2  }
0x1e: {  	s7 =	smul.u32 @!p0 $0xF7A, s2;
	p2 =	seq.s32 @!p0 s5, $0x0  }
0x1f: {  	s9 =	smul.u32 $0xF7A, s1;
	s8 =	simm.s32 @!p0 $0x1BF5;
	p2 =	por !p2, p0  }
0x20: {  	[sflag:s8] =	ssyncset.s32 @!p0 $0xFFFFF086;
	s6 =	sadd.s32 @!p0 s3, s7;
	s7 =	simm.s32 @!p0 $0x108  }
0x21: {  	s3 =	sadd.s32 s3, s9;
	s6 =	sadd.s32 @!p0 $0x88, s6;
	s7 =	simm.s32 @p2 $0x1082  }
0x22: {  	[simem:s7], [sflag:s8] =	dma.local @!p0 [hbm:s6], $0xF7A  }
0x23: {  	s9 =	sor.u32 $0xD0000000, s2;
	s6 =	simm.s32 $0x108;
	_ =	swait.ge @!p0 [sflag:s8], $0x0  }
0x24: {  	s3 =	sadd.s32 $0x88, s3;
	s6 =	simm.s32 @!p1 $0x1082;
	[sflag:s4] =	ssyncset.s32 $0xFFFFF086  }
0x25: {  	[simem:s6], [sflag:s4] =	dma.local [hbm:s3], $0xF7A  }
0x26: {  	[smem:$0x3F9F] =	sst s1;
	(tag) =	ssettag s2;
	_ =	strace s9  }
0x27: {  	s1 =	sld [smem:$0x3FAF]  }
0x28: {  	s2 =	sld [smem:$0x3FB0]  }
0x29: {  	s4 =	sld [smem:$0x3FB2]  }
0x2a: {  	p0 =	seq.s32 s5, $0x0;
	s5 =	sld [smem:$0x3FB3]  }
0x2b: {  	s6 =	sld [smem:$0x3FB4]  }
0x2c: {  	s7 =	sld [smem:$0x3FB5]  }
0x2d: {  	s3 =	simm.s32 $0x108;
	s8 =	sld [smem:$0x3FB6]  }
0x2e: {  	s3 =	simm.s32 @!p0 $0x1082;
	s9 =	sld [smem:$0x3FB7]  }
0x2f: {  	lr =	sadd.s32 s0, s3;
	s0 =	sld [smem:$0x3FAE]  }
0x30: {  	s3 =	sld [smem:$0x3FB1]  }
0x31: {  	[smem:$0x3FBA] =	sst s10  }
0x32: {  	s10 =	sld [smem:$0x3FB8];
	_ =	sdelay $0x3  }
0x33: {  	p0 =	seq.s32 s10, $0x1;
	s10 =	sld [smem:$0x3FBA];
	_ =	sdelay $0x3  }
0x34: {  	[smem:$0x3FBA] =	sst s10  }
0x35: {  	s10 =	sld [smem:$0x3FB9];
	_ =	sdelay $0x3  }
0x36: {  	p1 =	seq.s32 s10, $0x1;
	s10 =	sld [smem:$0x3FBA];
	_ =	sdelay $0x3  }
0x37: {  	[smem:$0x3FBA] =	sst s10  }
0x38: {  	s10 =	sld [smem:$0x3FBB]  }
0x39: {  	_ = 	snop;
	(pc) =	sbr.ind lr, $3  }
0x3a: {  	_ = 	snop  }
0x3b: {  	_ = 	snop  }
0x3c: {  	p2 =	seq.s32 s10, $0x1;
	s10 =	sld [smem:$0x3FBA]  }
0x3d: {  	_ =	shalt  }
0x3e: {  	_ =	shalt  }
0x3f: {  	_ =	shalt  }
0x40: {  	_ =	shalt  }
0x41: {  	_ =	shalt  }
0x42: {  	_ =	shalt  }
0x43: {  	_ =	shalt  }
0x44: {  	_ =	shalt  }
0x45: {  	_ =	shalt  }
0x46: {  	_ =	shalt  }
0x47: {  	_ =	shalt  }
0x48: {  	_ =	shalt  }
0x49: {  	_ =	shalt  }
0x4a: {  	_ =	shalt  }
0x4b: {  	_ =	shalt  }
0x4c: {  	_ =	shalt  }
0x4d: {  	_ =	shalt  }
0x4e: {  	_ =	shalt  }
0x4f: {  	_ =	shalt  }
0x50: {  	_ =	shalt  }
0x51: {  	_ =	shalt  }
0x52: {  	_ =	shalt  }
0x53: {  	_ =	shalt  }
0x54: {  	_ =	shalt  }
0x55: {  	_ =	shalt  }
0x56: {  	_ =	shalt  }
0x57: {  	_ =	shalt  }
0x58: {  	_ =	shalt  }
0x59: {  	_ =	shalt  }
0x5a: {  	_ =	shalt  }
0x5b: {  	_ =	shalt  }
0x5c: {  	_ =	shalt  }
0x5d: {  	_ =	shalt  }
0x5e: {  	_ =	shalt  }
0x5f: {  	_ =	shalt  }
0x60: {  	_ =	shalt  }
0x61: {  	_ =	shalt  }
0x62: {  	_ =	shalt  }
0x63: {  	_ =	shalt  }
0x64: {  	_ =	shalt  }
0x65: {  	_ =	shalt  }
0x66: {  	_ =	shalt  }
0x67: {  	_ =	shalt  }
0x68: {  	_ =	shalt  }
0x69: {  	_ =	shalt  }
0x6a: {  	_ =	shalt  }
0x6b: {  	_ =	shalt  }
0x6c: {  	_ =	shalt  }
0x6d: {  	_ =	shalt  }
0x6e: {  	_ =	shalt  }
0x6f: {  	_ =	shalt  }
0x70: {  	_ =	shalt  }
0x71: {  	_ =	shalt  }
0x72: {  	_ =	shalt  }
0x73: {  	_ =	shalt  }
0x74: {  	_ =	shalt  }
0x75: {  	_ =	shalt  }
0x76: {  	_ =	shalt  }
0x77: {  	_ =	shalt  }
0x78: {  	_ =	shalt  }
0x79: {  	_ =	shalt  }
0x7a: {  	_ =	shalt  }
0x7b: {  	_ =	shalt  }
0x7c: {  	_ =	shalt  }
0x7d: {  	_ =	shalt  }
0x7e: {  	_ =	shalt  }
0x7f: {  	_ =	shalt  }
0x80: {  	_ =	shalt  }
0x81: {  	_ =	shalt  }
0x82: {  	_ =	shalt  }
0x83: {  	_ =	shalt  }
0x84: {  	_ =	shalt  }
0x85: {  	_ =	shalt  }
0x86: {  	_ =	shalt  }
0x87: {  	_ =	shalt  }
.Lfunc_end0:
.L_simem_size_0:
called_computation_lowered:
.L_overlay_start_0:
0x88: {  	s2 =	sld [smem:$0x3FD9]  }
0x89: {  	s3 =	sld [smem:$0x3FFE];
	_ =	sdelay $0x1  }
0x8a: {  	s1 =	srdreg.scid  }
0x8b: {  	s0 =	sand.u32 $0x1, s1  }
0x8c: {  	s17 =	sshll.u32 s0, $0xA;
	s2 =	sadd.s32 s3, s2  }
0x8d: {  	s2 =	sadd.s32 s2, s17  }
0x8e: {  	[smem:$0x3FC6] =	sst s2  }
0x8f: {  	_ = 	snop  }
0x90: {  	s2 =	sld [smem:$0x3FC9]  }
0x91: {  	s18 =	sld [smem:$0x3FC8];
	(tm) =	ssettm $0x1  }
0x92: {  	s4 =	sld [smem:$0x3FFB];
	_ =	sdelay $0x3  }
0x93: {  	_ =	strace s4  }
0x94: {  	s4 =	sld [smem:$0x3FFC];
	_ =	sdelay $0x3  }
0x95: {  	_ =	strace s4  }
0x96: {  	s4 =	sld [smem:$0x3FFD];
	_ =	sdelay $0x3  }
0x97: {  	_ =	strace s4  }
0x98: {  	_ =	strace $0x8FFFFFFF  }
0x99: {  	s19 =	sld [smem:$0x3FDB];
	_ =	sdelay $0x1  }
0x9a: {  	s5 =	simm.s32 $_scs_section_size  }
0x9b: {  	s6 =	simm.s32 $_size__tile_overlayer_lowered;
	s7 =	simm.s32 $_tile_overlayer_lowered  }
0x9c: {  	s22 =	simm.s32 $0x1BFF;
	s21 =	sshll.u32 s7, $0x1;
	s4 =	sadd.s32 s5, s19  }
0x9d: {  	s8 =	simm.s32 $0x0;
	s20 =	sshll.u32 s6, $0x1;
	s6 =	sadd.s32 s21, s4  }
0x9e: {  	[timem:s8], [sflag:s22] =	dma.local [hbm:s6], s20  }
0x9f: {  	_ =	swait.ge [sflag:s22], s20  }
0xa0: {  	s5 =	ssub.s32 $0x0, s20;
	[sflag:s22] =	ssyncset.done $0x0  }
0xa1: {  	[sflag:s22] =	ssyncadd.s32 s5;
	_ =	sdelay $0x1  }
0xa2: {  	s23 =	simm.s32 $0x1B8B  }
0xa3: {  	_ =	swait.ge [sflag:s23], $0x1  }
0xa4: {  	[sflag:s23] =	ssyncset.done $0x0  }
0xa5: {  	s25 =	simm.s32 $0x1B8E;
	s24 =	sld [smem:$0x3FFE];
	[sflag:s23] =	ssyncadd.s32 $0xFFFFFFFF  }
0xa6: {  	s26 =	simm.s32 $execute0_lowered;
	[smem:$0x3FD2] =	sst s25  }
0xa7: {  	s6 =	sshll.u32 s26, $0x1;
	_ =	strace $0x80000046;
	[dreg:$0x1] =	wrdreg $0xFFFFFFFF  }
0xa8: {  	s28 =	simm.s32 $_size_execute0_lowered;
	s4 =	sadd.s32 s4, s6;
	[dreg:$0x0] =	wrdreg $0x0  }
0xa9: {  	s6 =	sshll.u32 s28, $0x1;
	[dreg:$0x2] =	wrdreg s4  }
0xaa: {  	[dreg:$0x3] =	wrdreg s6  }
0xab: {  	[dreg:$0x4] =	wrdreg $0xC0  }
0xac: {  	_ =	task [dreg:s8], $0x5FFFF  }
0xad: {  	[dreg:$0x1] =	wrdreg $0xFFFFFFFF  }
0xae: {  	[dreg:$0x0] =	wrdreg $0x60  }
0xaf: {  	[dreg:$0x2] =	wrdreg s2  }
0xb0: {  	[dreg:$0x3] =	wrdreg s18  }
0xb1: {  	[dreg:$0x4] =	wrdreg s24  }
0xb2: {  	[dreg:$0x5] =	wrdreg $0x9  }
0xb3: {  	_ =	task.clear_ibuf [dreg:s8], $0x6FFFF;
	_ =	strace $0x90000046  }
0xb4: {  	s29 =	simm.s32 $0x9;
	_ =	strace $0x80000048  }
0xb5: {  	_ =	swait.ge [sflag:s29], $0x1  }
0xb6: {  	[sflag:s29] =	ssyncadd.s32 $0xFFFFFFFF  }
0xb7: {  	_ =	strace $0x90000048  }
0xb8: {  	_ =	sfence  }
0xb9: {  	s30 =	sld [smem:$0x0];
	_ =	sdelay $0x2  }
0xba: {  	s31 =	sshll.u32 s1, $0xD;
	s1 =	sshrl.u32 s1, $0x2  }
0xbb: {  	s3 =	sand.u32 $0x4000, s31;
	s1 =	sadd.s32 s1, s30  }
0xbc: {  	s0 =	sor.u32 s3, s0;
	s1 =	sshll.u32 s1, $0x11  }
0xbd: {  	s0 =	sor.u32 s1, s0  }
0xbe: {  	s0 =	sadd.s32 $0x8F2B, s0  }
0xbf: {  	[sflag:s0] =	ssyncadd.remote.s32 $0x1  }
0xc0: {  	_ =	sfence.sel $0xFFFF  }
0xc1: {  	[dreg:$0x0] =	wrdreg $0xFFFFFFFF;
	(pc) =	sbr.abs _section_cstart, $3  }
0xc2: {  	[dreg:$0x1] =	wrdreg $0xFFFFFFFF  }
0xc3: {  	_ =	task.clear_ibuf [dreg:s8], $0x2FFFF;
	_ =	strace $0x9FFFFFFF  }
0xc4: {  	(tm) =	ssettm $0x7FFFFFFF  }
0xc5: {  	_ =	shalt  }
tec
execute0_lowered:
.L_overlay_start_1:
0x0: {  	(tag) =	ssettag $0x1  }
0x1: {  	s0 =	rddreg [dreg:$0x0]  }
0x2: {  	s1 =	srdreg.scid;
	s4 =	rddreg [dreg:$0x1]  }
0x3: {  	s6 =	rddreg [dreg:$0x2];
	s2 =	stileid.u32  }
0x4: {  	s3 =	simm.s32 $0x0;
	s5 =	sand.u32 $0x1, s1;
	s1 =	rddreg [dreg:$0x3]  }
0x5: {  	[smem:$0x7FF] =	sst s3;
	s9 =	sshll.u32 s2, $0x4;
	s7 =	sshll.u32 s5, $0x4  }
0x6: {  	s9 =	sand.u32 $0x70, s9;
	s5 =	ssub.s32 $0x2, s5;
	s7 =	sor.u32 s2, s7  }
0x7: {  	_ =	strace $0x80000047;
	s26 =	sshrl.u32 s5, $0x1;
	s8 =	sshll.u32 s7, $0x4  }
0x8: {  	s28 =	ssub.s32 s5, s26;
	s29 =	sshll.u32 s7, $0x5;
	s30 =	sshll.u32 s7, $0x8  }
0x9: {  	s8 =	sand.u32 $0x180, s8;
	s4 =	sadd.s32 s4, s29;
	s7 =	smax.u32 s28, $0x1  }
0xa: {  	s31 =	sor.u32 $0x10, s30;
	s10 =	sor.u32 $0x20, s30;
	s11 =	sor.u32 $0x30, s30  }
0xb: {  	s12 =	sor.u32 $0x40, s30;
	s13 =	sor.u32 $0x50, s30;
	s14 =	sor.u32 $0x60, s30  }
0xc: {  	s15 =	sor.u32 $0x70, s30;
	s16 =	sor.u32 $0x80, s30;
	s17 =	sor.u32 $0x90, s30  }
0xd: {  	s18 =	sor.u32 $0xA0, s30;
	s19 =	sor.u32 $0xB0, s30;
	s20 =	sor.u32 $0xC0, s30  }
0xe: {  	v0 =	vlaneseq.u32;
	s21 =	sor.u32 $0xD0, s30;
	s22 =	sor.u32 $0xE0, s30;
	s23 =	sor.u32 $0xF0, s30  }
0xf: {  	v17 =	vimm.f32 $0.0e+00;
	v18 =	vimm.s32 $0x1;
	s8 =	sor.u32 s9, s8;
	v3 =	vor.u32 s10, v0;
	s9 =	simm.s32 $0x40;
	s10 =	simm.s32 $0x280  }
.Ltmp0:
0x10: {  	v1 =	vor.u32 s30, v0;
	v4 =	vor.u32 s11, v0;
	v5 =	vor.u32 s12, v0;
	s11 =	simm.s32 $0x480;
	s12 =	simm.s32 $0x300;
	(pc) =	sbr.rel .LBB2_1-.Ltmp0, $4  }
0x11: {  	v6 =	vor.u32 s13, v0;
	v7 =	vor.u32 s14, v0;
	v8 =	vor.u32 s15, v0;
	s13 =	simm.s32 $0x2480;
	s14 =	simm.s32 $0x380;
	s15 =	simm.s32 $0x4480  }
0x12: {  	v9 =	vor.u32 s16, v0;
	v10 =	vor.u32 s17, v0;
	v11 =	vor.u32 s18, v0;
	s16 =	simm.s32 $0x400;
	s17 =	simm.s32 $0x6480;
	s18 =	simm.s32 $0x8480  }
0x13: {  	v2 =	vor.u32 s31, v0;
	v12 =	vor.u32 s19, v0;
	v13 =	vor.u32 s20, v0;
	s19 =	simm.s32 $0x8500;
	s20 =	simm.s32 $0x0;
	s6 =	sadd.s32 s8, s6  }
0x14: {  	v14 =	vor.u32 s21, v0;
	v15 =	vor.u32 s22, v0;
	v16 =	vor.u32 s23, v0;
	s8 =	simm.s32 $0x5;
	s5 =	sadd.s32 $0xE00, s6;
	s6 =	sadd.s32 $0x1000, s6  }
.LBB2_13:
0x15: {  	v19 =	vshll.u32 v18, v19  }
0x16: {  	v20 =	vshll.u32 v18, v20;
	v19 =	vnsel vm0, $0x0, v19  }
0x17: {  	v20 =	vnsel vm1, $0x0, v20;
	v19 =	vor.u32 v23, v19  }
0x18: {  	v61 =	vshll.u32 v18, v22;
	v19 =	vor.u32 v19, v20;
	v20 =	vshll.u32 v18, v21  }
0x19: {  	v62 =	vmov s24;
	vm15 =	veq.s32 v0, $0x0;
	v20 =	vnsel vm2, $0x0, v20  }
0x1a: {  	v63 =	vsel vm15, s25, v62;
	v19 =	vor.u32 v19, v20;
	v20 =	vnsel vm3, $0x0, v61  }
0x1b: {  	[tilespmem:$0x8480] =	vst v63;
	v19 =	vor.u32 v19, v20  }
0x1c: {  	[tilespmem:$0x8500] =	vst v19  }
0x1d: {  	[hbm4b:s5+s3] =	stream.linear.scatter [tilespmem:s18], [sflag:$0x5], $0x80, $0x38;
	[tilespmem:$0x8580] =	vst v63  }
0x1e: {  	s20 =	sadd.s32 $0x1, s20;
	_ =	swait.ge [sflag:s8], $0x80  }
0x1f: {  	p0 =	sne.s32 s20, s7;
	[sflag:s8] =	ssyncset.done $0x0  }
.Ltmp1:
0x20: {  	[sflag:s8] =	ssyncadd.s32 $0xFFFFFF80;
	(pc) =	sbr.rel @!p0 .LBB2_14-.Ltmp1, $4  }
0x21: {  	[hbm4b:s6+s3] =	stream.linear.scatter [tilespmem:s19], [sflag:$0x5], $0x80, $0x38;
	[tilespmem:$0x8580] =	vst v63  }
0x22: {  	_ =	swait.ge [sflag:s8], $0x80  }
0x23: {  	[sflag:s8] =	ssyncset.done $0x0  }
0x24: {  	[sflag:s8] =	ssyncadd.s32 $0xFFFFFF80  }
.LBB2_1:
0x25: {  	[tilespmem:s3], [sflag:$0x5] =	stream.linear.gather [hbm4b:s4+s3], $0x100, $0x38;
	[tilespmem:$0x8580] =	vst v63  }
0x26: {  	_ =	swait.ge [sflag:s8], $0x100  }
0x27: {  	[sflag:s8] =	ssyncset.done $0x0  }
0x28: {  	[sflag:s8] =	ssyncadd.s32 $0xFFFFFF00  }
0x29: {  	v20 =	vld [tilespmem:$0x0]  }
0x2a: {  	v21 =	vld [tilespmem:$0x10]  }
0x2b: {  	v22 =	vld [tilespmem:$0x20]  }
0x2c: {  	v24 =	vld [tilespmem:$0x30];
	_ =	sdelay $0x2  }
0x2d: {  	v19 =	vadd.s32 $0xFFFFFFFF, v20  }
0x2e: {  	v23 =	vadd.s32 $0xFFFFFFFF, v21;
	v25 =	vadd.s32 $0xFFFFFFFF, v22;
	vm0 =	vgt.s32 v19, $0x0  }
0x2f: {  	v34 =	vadd.s32 $0xFFFFFFFF, v24;
	vm1 =	vgt.s32 v23, $0x0;
	v19 =	vnsel vm0, $0x0, v19  }
0x30: {  	vm0 =	vgt.s32 v20, $0x0;
	v23 =	vnsel vm1, $0x0, v23;
	v20 =	vshll.u32 v19, $0xD  }
0x31: {  	vm1 =	vgt.s32 v21, $0x0;
	v21 =	vshll.u32 v23, $0xD;
	v20 =	vnsel vm0, $0x0, v20  }
0x32: {  	vm2 =	vgt.s32 v25, $0x0;
	v21 =	vnsel vm1, $0x0, v21;
	v20 =	vor.u32 v20, v1  }
0x33: {  	v26 =	vsel vm0, $0x3F800000, v17;
	[tilespmem:$0x280] =	vst v20;
	v20 =	vadd.s32 v21, v2;
	v21 =	vnsel vm2, $0x0, v25  }
0x34: {  	vm3 =	vgt.s32 v34, $0x0;
	[tilespmem:$0x100] =	vst v26;
	vm2 =	vgt.s32 v22, $0x0;
	v22 =	vshll.u32 v21, $0xD  }
0x35: {  	v25 =	vnsel vm3, $0x0, v34;
	[tilespmem:$0x290] =	vst v20;
	v20 =	vsel vm1, $0x3F800000, v17;
	v22 =	vnsel vm2, $0x0, v22  }
0x36: {  	vm3 =	vgt.s32 v24, $0x0;
	[tilespmem:$0x110] =	vst v20;
	v20 =	vadd.s32 v22, v3;
	v22 =	vshll.u32 v25, $0xD  }
0x37: {  	[tilespmem:$0x2A0] =	vst v20;
	v20 =	vsel vm2, $0x3F800000, v17;
	v22 =	vnsel vm3, $0x0, v22  }
0x38: {  	[tilespmem:$0x120] =	vst v20;
	v20 =	vadd.s32 v22, v4  }
0x39: {  	[tilespmem:$0x2B0] =	vst v20;
	v20 =	vsel vm3, $0x3F800000, v17  }
0x3a: {  	[tilespmem:$0x130] =	vst v20  }
0x3b: {  	[tilespmem:s11], [sflag:$0x1] =	stream.indirect.gather [hbm4b:s0+s9], $0x80, s10, s9, $0xb8;
	[tilespmem:$0x8580] =	vst v63  }
0x3c: {  	v20 =	vld [tilespmem:$0x40]  }
0x3d: {  	v22 =	vld [tilespmem:$0x50];
	_ =	sdelay $0x1  }
0x3e: {  	v36 =	vld [tilespmem:$0x60]  }
0x3f: {  	v28 =	vld [tilespmem:$0x70]  }
0x40: {  	v35 =	vadd.s32 $0xFFFFFFFF, v20  }
0x41: {  	vm6 =	vgt.s32 v20, $0x0;
	v27 =	vadd.s32 $0xFFFFFFFF, v22;
	vm4 =	vgt.s32 v35, $0x0  }
0x42: {  	vm7 =	vgt.s32 v22, $0x0;
	v24 =	vnsel vm4, $0x0, v35;
	vm4 =	vgt.s32 v27, $0x0  }
0x43: {  	v29 =	vadd.s32 $0xFFFFFFFF, v36;
	v20 =	vshll.u32 v24, $0xD;
	v27 =	vnsel vm4, $0x0, v27  }
0x44: {  	v37 =	vadd.s32 $0xFFFFFFFF, v28;
	v20 =	vnsel vm6, $0x0, v20;
	v22 =	vshll.u32 v27, $0xD  }
0x45: {  	vm4 =	vgt.s32 v29, $0x0;
	v20 =	vadd.s32 v20, v5;
	v22 =	vnsel vm7, $0x0, v22  }
0x46: {  	v30 =	vsel vm6, $0x3F800000, v17;
	[tilespmem:$0x300] =	vst v20;
	v20 =	vadd.s32 v22, v6;
	v22 =	vnsel vm4, $0x0, v29  }
0x47: {  	vm10 =	vgt.s32 v36, $0x0;
	[tilespmem:$0x140] =	vst v30;
	vm4 =	vgt.s32 v37, $0x0;
	v38 =	vshll.u32 v22, $0xD  }
0x48: {  	[tilespmem:$0x310] =	vst v20;
	v20 =	vsel vm7, $0x3F800000, v17;
	v29 =	vnsel vm4, $0x0, v37;
	v26 =	vnsel vm10, $0x0, v38  }
0x49: {  	vm11 =	vgt.s32 v28, $0x0;
	[tilespmem:$0x150] =	vst v20;
	v39 =	vshll.u32 v29, $0xD;
	v20 =	vadd.s32 v26, v7  }
0x4a: {  	v26 =	vnsel vm11, $0x0, v39;
	[tilespmem:$0x320] =	vst v20;
	v20 =	vsel vm10, $0x3F800000, v17  }
0x4b: {  	[tilespmem:$0x160] =	vst v20;
	v20 =	vadd.s32 v26, v8  }
0x4c: {  	[tilespmem:$0x330] =	vst v20;
	v20 =	vsel vm11, $0x3F800000, v17  }
0x4d: {  	[tilespmem:$0x170] =	vst v20  }
0x4e: {  	[tilespmem:s13], [sflag:$0x2] =	stream.indirect.gather [hbm4b:s0+s9], $0x80, s12, s9, $0xb8;
	[tilespmem:$0x8580] =	vst v63  }
0x4f: {  	v20 =	vld [tilespmem:$0x80]  }
0x50: {  	v40 =	vld [tilespmem:$0x90]  }
0x51: {  	v42 =	vld [tilespmem:$0xA0]  }
0x52: {  	v32 =	vld [tilespmem:$0xB0];
	_ =	sdelay $0x3  }
0x53: {  	v41 =	vadd.s32 $0xFFFFFFFF, v20  }
0x54: {  	v31 =	vadd.s32 $0xFFFFFFFF, v40;
	v33 =	vadd.s32 $0xFFFFFFFF, v42;
	v45 =	vadd.s32 $0xFFFFFFFF, v32  }
0x55: {  	vm14 =	vgt.s32 v42, $0x0;
	vm4 =	vgt.s32 v41, $0x0;
	vm5 =	vgt.s32 v31, $0x0  }
0x56: {  	vm8 =	vgt.s32 v33, $0x0;
	v28 =	vnsel vm4, $0x0, v41;
	vm4 =	vgt.s32 v20, $0x0  }
0x57: {  	v31 =	vnsel vm5, $0x0, v31;
	vm5 =	vgt.s32 v40, $0x0;
	v20 =	vshll.u32 v28, $0xD  }
0x58: {  	v43 =	vshll.u32 v31, $0xD;
	v34 =	vsel vm4, $0x3F800000, v17;
	v20 =	vnsel vm4, $0x0, v20  }
0x59: {  	v44 =	vnsel vm8, $0x0, v33;
	v26 =	vnsel vm5, $0x0, v43;
	[tilespmem:$0x180] =	vst v34;
	v20 =	vadd.s32 v20, v9  }
0x5a: {  	vm9 =	vgt.s32 v45, $0x0;
	v46 =	vshll.u32 v44, $0xD;
	[tilespmem:$0x380] =	vst v20;
	v20 =	vadd.s32 v26, v10  }
0x5b: {  	v33 =	vnsel vm9, $0x0, v45;
	v30 =	vnsel vm14, $0x0, v46;
	[tilespmem:$0x390] =	vst v20;
	v20 =	vsel vm5, $0x3F800000, v17  }
0x5c: {  	vm15 =	vgt.s32 v32, $0x0;
	v47 =	vshll.u32 v33, $0xD;
	[tilespmem:$0x190] =	vst v20;
	v20 =	vadd.s32 v30, v11  }
0x5d: {  	v30 =	vnsel vm15, $0x0, v47;
	[tilespmem:$0x3A0] =	vst v20;
	v20 =	vsel vm14, $0x3F800000, v17  }
0x5e: {  	[tilespmem:$0x1A0] =	vst v20;
	v20 =	vadd.s32 v30, v12  }
0x5f: {  	[tilespmem:$0x3B0] =	vst v20;
	v20 =	vsel vm15, $0x3F800000, v17  }
0x60: {  	[tilespmem:$0x1B0] =	vst v20  }
0x61: {  	v19 =	vshll.u32 v18, v19;
	[tilespmem:s15], [sflag:$0x3] =	stream.indirect.gather [hbm4b:s0+s9], $0x80, s14, s9, $0xb8;
	[tilespmem:$0x8580] =	vst v63  }
0x62: {  	v19 =	vnsel vm0, $0x0, v19;
	v21 =	vshll.u32 v18, v21;
	v20 =	vshll.u32 v18, v23;
	v23 =	vld [tilespmem:$0xC0]  }
0x63: {  	v21 =	vnsel vm2, $0x0, v21;
	v22 =	vshll.u32 v18, v22;
	v20 =	vnsel vm1, $0x0, v20  }
0x64: {  	v51 =	vnsel vm10, $0x0, v22;
	v19 =	vor.u32 v19, v20;
	v20 =	vshll.u32 v18, v25  }
0x65: {  	v48 =	vld [tilespmem:$0xD0];
	v20 =	vnsel vm3, $0x0, v20;
	v19 =	vor.u32 v19, v21;
	v21 =	vshll.u32 v18, v24  }
0x66: {  	v22 =	vshll.u32 v18, v29;
	v19 =	vor.u32 v19, v20;
	v20 =	vnsel vm6, $0x0, v21  }
0x67: {  	v49 =	vld [tilespmem:$0xE0];
	v19 =	vor.u32 v19, v20;
	v20 =	vshll.u32 v18, v27;
	v21 =	vadd.s32 $0xFFFFFFFF, v23  }
0x68: {  	v29 =	vnsel vm11, $0x0, v22;
	v20 =	vnsel vm7, $0x0, v20;
	vm0 =	vgt.s32 v21, $0x0  }
0x69: {  	v50 =	vor.u32 v19, v20;
	v19 =	vnsel vm0, $0x0, v21;
	vm0 =	vgt.s32 v23, $0x0;
	v23 =	vld [tilespmem:$0xF0]  }
0x6a: {  	v58 =	vshll.u32 v18, v28;
	v21 =	vadd.s32 $0xFFFFFFFF, v48;
	v20 =	vshll.u32 v19, $0xD  }
0x6b: {  	v61 =	vshll.u32 v18, v31;
	vm1 =	vgt.s32 v21, $0x0;
	v20 =	vnsel vm0, $0x0, v20  }
0x6c: {  	v52 =	vadd.s32 $0xFFFFFFFF, v49;
	v22 =	vadd.s32 v20, v13;
	v20 =	vnsel vm1, $0x0, v21  }
0x6d: {  	vm2 =	vgt.s32 v52, $0x0;
	vm1 =	vgt.s32 v48, $0x0;
	v21 =	vshll.u32 v20, $0xD  }
0x6e: {  	v27 =	vor.u32 v50, v51;
	v21 =	vnsel vm1, $0x0, v21;
	v54 =	vadd.s32 $0xFFFFFFFF, v23  }
0x6f: {  	v60 =	vor.u32 v27, v29;
	[tilespmem:$0x400] =	vst v22;
	v22 =	vadd.s32 v21, v14;
	vm3 =	vgt.s32 v54, $0x0  }
0x70: {  	v53 =	vsel vm0, $0x3F800000, v17;
	v56 =	vsel vm1, $0x3F800000, v17;
	[tilespmem:$0x410] =	vst v22;
	v22 =	vnsel vm3, $0x0, v54  }
0x71: {  	v21 =	vnsel vm2, $0x0, v52;
	vm3 =	vgt.s32 v23, $0x0;
	v23 =	vshll.u32 v22, $0xD  }
0x72: {  	[tilespmem:$0x1C0] =	vst v53;
	vm2 =	vgt.s32 v49, $0x0;
	v55 =	vshll.u32 v21, $0xD;
	v23 =	vnsel vm3, $0x0, v23  }
0x73: {  	v27 =	vnsel vm5, $0x0, v61;
	[tilespmem:$0x1D0] =	vst v56;
	v25 =	vnsel vm2, $0x0, v55;
	v23 =	vadd.s32 v23, v16  }
.Ltmp2:
0x74: {  	v57 =	vadd.s32 v25, v15;
	v25 =	vnsel vm4, $0x0, v58;
	[tilespmem:$0x430] =	vst v23;
	v23 =	vsel vm3, $0x3F800000, v17;
	(pc) =	sbr.rel .LBB2_2-.Ltmp2, $4  }
0x75: {  	v59 =	vsel vm2, $0x3F800000, v17;
	v24 =	vor.u32 v60, v25;
	[tilespmem:$0x1F0] =	vst v23;
	v23 =	vshll.u32 v18, v44  }
0x76: {  	s24 =	simm.f32 $0.0e+00;
	s21 =	simm.s32 $0x100;
	v62 =	vshll.u32 v18, v33;
	[tilespmem:$0x1E0] =	vst v59;
	v24 =	vor.u32 v24, v27;
	v23 =	vnsel vm14, $0x0, v23  }
0x77: {  	s22 =	simm.s32 $0x0;
	s25 =	simm.f32 $0.0e+00;
	s23 =	simm.s32 $0x0;
	v63 =	vnsel vm15, $0x0, v62;
	[tilespmem:$0x420] =	vst v57;
	v23 =	vor.u32 v24, v23  }
0x78: {  	[tilespmem:s17], [sflag:$0x4] =	stream.indirect.gather [hbm4b:s0+s9], $0x80, s16, s9, $0xb8;
	v23 =	vor.u32 v23, v63;
	[tilespmem:$0x8580] =	vst v63  }
.LBB2_10:
0x79: {  	s26 =	simm.s32 $0x3  }
.LBB2_11:
0x7a: {  	_ =	swait.ge [sflag:s26], $0x2000  }
0x7b: {  	[sflag:s26] =	ssyncset.done $0x0  }
0x7c: {  	[sflag:s26] =	ssyncadd.s32 $0xFFFFE000  }
.LBB2_12:
0x7d: {  	v24 =	vld [tilespmem:s21+$0x0];
	s26 =	sand.u32 $0x7C00, s22  }
0x7e: {  	v25 =	vld [tilespmem:s26+$0x480]  }
0x7f: {  	v26 =	vld [tilespmem:s26+$0x490]  }
0x80: {  	v27 =	vld [tilespmem:s26+$0x4A0]  }
0x81: {  	v28 =	vld [tilespmem:s26+$0x4B0]  }
0x82: {  	v29 =	vld [tilespmem:s26+$0x4C0]  }
0x83: {  	v30 =	vld [tilespmem:s26+$0x4D0]  }
0x84: {  	v31 =	vld [tilespmem:s26+$0x4E0]  }
0x85: {  	v32 =	vld [tilespmem:s26+$0x4F0]  }
0x86: {  	v33 =	vld [tilespmem:s26+$0x500]  }
0x87: {  	v34 =	vld [tilespmem:s26+$0x510]  }
0x88: {  	v35 =	vld [tilespmem:s26+$0x520]  }
0x89: {  	v36 =	vld [tilespmem:s26+$0x530]  }
0x8a: {  	v37 =	vld [tilespmem:s26+$0x540]  }
0x8b: {  	v38 =	vld [tilespmem:s26+$0x550]  }
0x8c: {  	v39 =	vld [tilespmem:s26+$0x560]  }
0x8d: {  	v40 =	vld [tilespmem:s26+$0x570]  }
0x8e: {  	v42 =	vld [tilespmem:s26+$0x580]  }
0x8f: {  	v43 =	vld [tilespmem:s26+$0x590]  }
0x90: {  	v52 =	vld [tilespmem:s26+$0x5B0]  }
0x91: {  	v53 =	vld [tilespmem:s26+$0x5C0]  }
0x92: {  	v54 =	vld [tilespmem:s26+$0x5D0]  }
0x93: {  	v55 =	vld [tilespmem:s26+$0x5E0]  }
0x94: {  	v57 =	vld [tilespmem:s26+$0x600]  }
0x95: {  	v59 =	vld [tilespmem:s26+$0x610]  }
0x96: {  	v44 =	vld [tilespmem:s26+$0x620]  }
0x97: {  	v45 =	vld [tilespmem:s26+$0x630]  }
0x98: {  	v46 =	vld [tilespmem:s26+$0x640];
	v41 =	vmax.f32 v25, v26  }
0x99: {  	v48 =	vld [tilespmem:s26+$0x650];
	v25 =	vmin.f32 v25, v26;
	v56 =	vmax.f32 v33, v34;
	v41 =	vmax.f32 v41, v27  }
0x9a: {  	v62 =	vld [tilespmem:s26+$0x680];
	v33 =	vmin.f32 v33, v34;
	v25 =	vmin.f32 v25, v27;
	v51 =	vmax.f32 v41, v28  }
0x9b: {  	v49 =	vld [tilespmem:s26+$0x6A0];
	v61 =	vmax.f32 v42, v43;
	v25 =	vmin.f32 v25, v28;
	v26 =	vmax.f32 v51, v29  }
0x9c: {  	v33 =	vmin.f32 v33, v35;
	v41 =	vld [tilespmem:s26+$0x5A0];
	v25 =	vmin.f32 v25, v29;
	v26 =	vmax.f32 v26, v30  }
0x9d: {  	v50 =	vld [tilespmem:s26+$0x6B0];
	v33 =	vmin.f32 v33, v36;
	v25 =	vmin.f32 v25, v30;
	v26 =	vmax.f32 v26, v31  }
0x9e: {  	v33 =	vmin.f32 v33, v37;
	v25 =	vmin.f32 v25, v31;
	v31 =	vld [tilespmem:s26+$0x5F0];
	v26 =	vmax.f32 v26, v32  }
0x9f: {  	v63 =	vmin.f32 v42, v43;
	v33 =	vmin.f32 v33, v38;
	(xrf0) =	vmax.scan.msk.f32 $0xffff, v26;
	v26 =	vmax.f32 v56, v35;
	v35 =	vld [tilespmem:s26+$0x670]  }
0xa0: {  	v33 =	vmin.f32 v33, v39;
	v25 =	vmin.f32 v25, v32;
	v56 =	vld [tilespmem:s26+$0x6E0];
	v58 =	vmax.f32 v26, v36  }
0xa1: {  	v34 =	vmax.f32 v61, v41;
	v61 =	vld [tilespmem:s26+$0x720];
	(xrf0) =	vmin.scan.msk.f32 $0xffff, v25;
	v25 =	vmax.f32 v58, v37;
	v37 =	vmin.f32 v63, v41  }
0xa2: {  	v34 =	vmax.f32 v34, v52;
	v26 =	vmin.f32 v57, v59;
	v41 =	vld [tilespmem:s26+$0x730];
	v27 =	vmin.f32 v37, v52  }
0xa3: {  	v34 =	vmax.f32 v34, v53;
	v25 =	vmax.f32 v25, v38;
	v27 =	vmin.f32 v27, v53;
	v53 =	vld [tilespmem:s26+$0x6C0]  }
0xa4: {  	v52 =	vmax.f32 v34, v54;
	v25 =	vmax.f32 v25, v39;
	v27 =	vmin.f32 v27, v54;
	v54 =	vld [tilespmem:s26+$0x6D0]  }
0xa5: {  	v33 =	vmin.f32 v33, v40;
	v26 =	vmin.f32 v26, v44;
	v25 =	vmax.f32 v25, v40;
	v40 =	vld [tilespmem:s26+$0x710]  }
0xa6: {  	v28 =	vmax.f32 v52, v55;
	v47, _, _ =	vpop (xrf0);
	(xrf0) =	vmax.scan.msk.f32 $0xffff, v25;
	v25 =	vld [tilespmem:s26+$0x660];
	v27 =	vmin.f32 v27, v55;
	v55 =	vmax.f32 v57, v59  }
0xa7: {  	v26 =	vmin.f32 v26, v45;
	(v2sf) =	vpush v47, $0xF;
	v47 =	vld [tilespmem:s26+$0x690];
	v30 =	vmax.f32 v55, v44  }
0xa8: {  	v26 =	vmin.f32 v26, v46;
	v57 =	vld [tilespmem:s26+$0x6F0];
	v30 =	vmax.f32 v30, v45  }
0xa9: {  	v28 =	vmax.f32 v28, v31;
	v27 =	vmin.f32 v27, v31;
	v31 =	vld [tilespmem:s26+$0x700];
	v30 =	vmax.f32 v30, v46  }
0xaa: {  	v26 =	vmin.f32 v26, v48;
	(xrf0) =	vmin.scan.msk.f32 $0xffff, v33;
	v59 =	vmax.f32 v30, v48;
	v48 =	vld [tilespmem:s26+$0x780]  }
0xab: {  	v60, _, _ =	vpop (xrf0);
	(v2sf) =	vpush v24, $0x0;
	(xrf0) =	vmax.scan.msk.f32 $0xffff, v28;
	v28 =	vmax.f32 v59, v25;
	v59 =	vld [tilespmem:s26+$0x7E0]  }
0xac: {  	v58 =	vmax.f32 v62, v47;
	v36 =	vmin.f32 v62, v47;
	v62 =	vmax.f32 v28, v35;
	v28 =	vld [tilespmem:s26+$0x750]  }
0xad: {  	(v2sf) =	vpush v60, $0xF;
	v25 =	vmin.f32 v26, v25;
	v51, _, _ =	vpop (xrf0);
	v63 =	vmin.f32 v36, v49;
	v36 =	vld [tilespmem:s26+$0x740]  }
0xae: {  	(xrf0) =	vmin.scan.msk.f32 $0xffff, v27;
	v25 =	vmin.f32 v25, v35;
	(v2sf) =	vpush v51, $0xF;
	v60 =	vmax.f32 v58, v49;
	v49 =	vld [tilespmem:s26+$0x790]  }
0xaf: {  	v51 =	vld [tilespmem:s26+$0x7A0];
	v58 =	vmax.f32 v31, v40;
	v31 =	vmin.f32 v31, v40;
	v30 =	vmax.f32 v60, v50  }
0xb0: {  	v42 =	vmin.f32 v63, v50;
	(v2sf) =	vpush v24, $0x1;
	v60 =	vmax.f32 v58, v61;
	v63 =	vld [tilespmem:s26+$0x800]  }
0xb1: {  	(xrf0) =	vmax.scan.msk.f32 $0xffff, v62;
	v44, _, _ =	vpop (xrf0);
	v31 =	vmin.f32 v31, v61;
	v30 =	vmax.f32 v30, v53;
	v26 =	vmin.f32 v42, v53;
	v53 =	vld [tilespmem:s26+$0x7B0]  }
0xb2: {  	v47, _, _ =	vpop (xrf0);
	(v2sf) =	vpush v44, $0xF;
	v35 =	vmax.f32 v60, v41;
	v31 =	vmin.f32 v31, v41;
	v42 =	vld [tilespmem:s26+$0x810]  }
0xb3: {  	v44 =	vld [tilespmem:s26+$0x820];
	v43 =	vmax.f32 v30, v54;
	v45 =	vmin.f32 v26, v54;
	(v2sf) =	vpush v47, $0xF  }
0xb4: {  	(xrf0) =	vmin.scan.msk.f32 $0xffff, v25;
	v50, _, _ =	vpop (xrf0);
	v30 =	vld [tilespmem:s26+$0x760];
	v27 =	vmax.f32 v43, v56;
	v25 =	vmin.f32 v45, v56;
	(v2sf) =	vpush v24, $0x2  }
0xb5: {  	v54 =	vld [tilespmem:s26+$0x7C0];
	v46 =	vmax.f32 v27, v57;
	v25 =	vmin.f32 v25, v57;
	(v2sf) =	vpush v50, $0xF  }
0xb6: {  	v56 =	vld [tilespmem:s26+$0x7D0];
	v35 =	vmax.f32 v35, v36;
	v31 =	vmin.f32 v31, v36;
	v43 =	vmax.f32 v48, v49  }
0xb7: {  	v27 =	vld [tilespmem:s26+$0x770];
	v26 =	vmin.f32 v48, v49;
	v52, _, _ =	vpop (xrf0);
	v35 =	vmax.f32 v35, v28;
	v45 =	vmax.f32 v43, v51  }
0xb8: {  	v61 =	vld [tilespmem:s26+$0x7F0];
	(xrf0) =	vmax.scan.msk.f32 $0xffff, v46;
	v28 =	vmin.f32 v31, v28;
	(v2sf) =	vpush v52, $0xF;
	v47 =	vmax.f32 v45, v53  }
0xb9: {  	v46 =	vld [tilespmem:s26+$0x830];
	(xrf0) =	vmin.scan.msk.f32 $0xffff, v25;
	v25 =	vmin.f32 v26, v51;
	v51 =	vmax.f32 v63, v42;
	(v2sf) =	vpush v24, $0x3  }
0xba: {  	v48 =	vld [tilespmem:s26+$0x840];
	v55, _, _ =	vpop (xrf0);
	v35 =	vmax.f32 v35, v30;
	v28 =	vmin.f32 v28, v30;
	v49 =	vmax.f32 v47, v54  }
0xbb: {  	v50 =	vld [tilespmem:s26+$0x850];
	v25 =	vmin.f32 v25, v53;
	v29 =	vmax.f32 v51, v44;
	(v2sf) =	vpush v55, $0xF  }
0xbc: {  	v52 =	vld [tilespmem:s26+$0x860];
	v26 =	vmax.f32 v49, v56;
	v25 =	vmin.f32 v25, v54;
	v35 =	vmax.f32 v35, v27  }
0xbd: {  	v53 =	vld [tilespmem:s26+$0x870];
	v54 =	vmin.f32 v63, v42;
	v27 =	vmin.f32 v28, v27;
	v26 =	vmax.f32 v26, v59;
	(xrf0) =	vmax.scan.msk.f32 $0xffff, v35  }
0xbe: {  	v25 =	vmin.f32 v25, v56;
	v55 =	vmin.f32 v54, v44;
	v29 =	vmax.f32 v29, v46  }
0xbf: {  	v26 =	vmax.f32 v26, v61;
	v25 =	vmin.f32 v25, v59;
	v57, _, _ =	vpop (xrf0);
	(xrf0) =	vmin.scan.msk.f32 $0xffff, v27;
	v56 =	vmax.f32 v29, v48  }
0xc0: {  	v25 =	vmin.f32 v25, v61;
	(v2sf) =	vpush v57, $0xF;
	v62, _, _ =	vpop (xrf0);
	(xrf0) =	vmax.scan.msk.f32 $0xffff, v26;
	v27 =	vmax.f32 v56, v50  }
0xc1: {  	s29 =	spop (v2sf);
	v26 =	vmin.f32 v55, v46;
	(v2sf) =	vpush v24, $0x4;
	v27 =	vmax.f32 v27, v52  }
0xc2: {  	s28 =	spop (v2sf);
	v26 =	vmin.f32 v26, v48;
	(xrf0) =	vmin.scan.msk.f32 $0xffff, v25;
	(v2sf) =	vpush v62, $0xF;
	v27 =	vmax.f32 v27, v53  }
0xc3: {  	s26 =	smul.f32 s29, s28;
	s29 =	spop (v2sf);
	v57 =	vmin.f32 v26, v50;
	v58, _, _ =	vpop (xrf0);
	(xrf0) =	vmax.scan.msk.f32 $0xffff, v27  }
0xc4: {  	s28 =	smul.f32 s29, s28;
	s30 =	spop (v2sf);
	v25 =	vmin.f32 v57, v52;
	(v2sf) =	vpush v58, $0xF  }
0xc5: {  	s25 =	sadd.f32 s26, s25;
	s31 =	spop (v2sf);
	v25 =	vmin.f32 v25, v53;
	v59, _, _ =	vpop (xrf0);
	(v2sf) =	vpush v24, $0x5  }
0xc6: {  	s26 =	smul.f32 s30, s31;
	s30 =	spop (v2sf);
	(xrf0) =	vmin.scan.msk.f32 $0xffff, v25;
	v60, _, _ =	vpop (xrf0);
	(v2sf) =	vpush v59, $0xF  }
0xc7: {  	s24 =	sadd.f32 s28, s24;
	s31 =	smul.f32 s30, s31;
	(v2sf) =	vpush v60, $0xF  }
0xc8: {  	s30 =	spop (v2sf);
	s25 =	sadd.f32 s26, s25;
	v61, _, _ =	vpop (xrf0);
	(v2sf) =	vpush v24, $0x6  }
0xc9: {  	s26 =	spop (v2sf);
	s24 =	sadd.f32 s31, s24;
	v62, _, _ =	vpop (xrf0);
	(v2sf) =	vpush v61, $0xF  }
0xca: {  	s31 =	smul.f32 s30, s26;
	s30 =	spop (v2sf);
	(v2sf) =	vpush v62, $0xF  }
0xcb: {  	s26 =	smul.f32 s30, s26  }
0xcc: {  	s29 =	spop (v2sf);
	s25 =	sadd.f32 s31, s25;
	v63, _, _ =	vpop (xrf0);
	(v2sf) =	vpush v24, $0x7  }
0xcd: {  	s28 =	spop (v2sf);
	s24 =	sadd.f32 s26, s24;
	(v2sf) =	vpush v63, $0xF  }
0xce: {  	s31 =	spop (v2sf);
	s29 =	smul.f32 s29, s28  }
0xcf: {  	s28 =	smul.f32 s31, s28;
	s26 =	spop (v2sf)  }
0xd0: {  	s25 =	sadd.f32 s29, s25;
	s30 =	spop (v2sf)  }
0xd1: {  	s31 =	spop (v2sf);
	s26 =	smul.f32 s26, s30  }
0xd2: {  	s24 =	sadd.f32 s28, s24;
	s29 =	smul.f32 s31, s30  }
0xd3: {  	s25 =	sadd.f32 s26, s25;
	s28 =	spop (v2sf)  }
0xd4: {  	s24 =	sadd.f32 s29, s24;
	s30 =	spop (v2sf)  }
0xd5: {  	s26 =	spop (v2sf);
	s28 =	smul.f32 s28, s30  }
0xd6: {  	s31 =	spop (v2sf);
	s26 =	smul.f32 s26, s30  }
0xd7: {  	s30 =	spop (v2sf);
	s25 =	sadd.f32 s28, s25  }
0xd8: {  	s28 =	smul.f32 s31, s30;
	s29 =	spop (v2sf)  }
0xd9: {  	s23 =	sadd.s32 $0x1, s23;
	s24 =	sadd.f32 s26, s24;
	s31 =	spop (v2sf)  }
0xda: {  	p0 =	sne.s32 s23, $0x20;
	s29 =	smul.f32 s29, s30;
	s25 =	sadd.f32 s28, s25  }
.Ltmp3:
0xdb: {  	s28 =	spop (v2sf);
	(pc) =	sbr.rel @!p0 .LBB2_13-.Ltmp3, $4  }
0xdc: {  	s26 =	smul.f32 s31, s28;
	s31 =	spop (v2sf)  }
0xdd: {  	s24 =	sadd.f32 s29, s24;
	s28 =	smul.f32 s31, s28  }
0xde: {  	s25 =	sadd.f32 s26, s25  }
0xdf: {  	s21 =	sadd.s32 $0x8, s21;
	s22 =	sadd.s32 $0x400, s22;
	s24 =	sadd.f32 s28, s24  }
.LBB2_2:
0xe0: {  	p0 =	sgt.s32 s23, $0xF  }
.Ltmp4:
0xe1: {  	_ = 	snop;
	(pc) =	sbr.rel @p0 .LBB2_5-.Ltmp4, $1  }
0xe2: {  	_ =	sdelay $0x3  }
0xe3: {  	p0 =	seq.s32 s23, $0x0  }
.Ltmp5:
0xe4: {  	_ = 	snop;
	(pc) =	sbr.rel @p0 .LBB2_4-.Ltmp5, $1  }
0xe5: {  	_ =	sdelay $0x3  }
0xe6: {  	p0 =	seq.s32 s23, $0x8  }
.Ltmp6:
0xe7: {  	_ = 	snop;
	(pc) =	sbr.rel @!p0 .LBB2_12-.Ltmp6, $1  }
0xe8: {  	_ =	sdelay $0x3  }
.Ltmp7:
0xe9: {  	(pc) =	sbr.rel .LBB2_11-.Ltmp7, $2  }
0xea: {  	_ =	sdelay $0x2  }
0xeb: {  	s26 =	simm.s32 $0x2  }
.LBB2_5:
0xec: {  	p0 =	seq.s32 s23, $0x10  }
.Ltmp8:
0xed: {  	_ = 	snop;
	(pc) =	sbr.rel @p0 .LBB2_10-.Ltmp8, $1  }
0xee: {  	_ =	sdelay $0x3  }
0xef: {  	p0 =	seq.s32 s23, $0x18  }
.Ltmp9:
0xf0: {  	_ = 	snop;
	(pc) =	sbr.rel @!p0 .LBB2_12-.Ltmp9, $1  }
0xf1: {  	_ =	sdelay $0x3  }
.Ltmp10:
0xf2: {  	(pc) =	sbr.rel .LBB2_11-.Ltmp10, $2  }
0xf3: {  	_ =	sdelay $0x2  }
0xf4: {  	s26 =	simm.s32 $0x4  }
.LBB2_4:
.Ltmp11:
0xf5: {  	(pc) =	sbr.rel .LBB2_11-.Ltmp11, $2  }
0xf6: {  	_ =	sdelay $0x2  }
0xf7: {  	s26 =	simm.s32 $0x1  }
.LBB2_14:
0xf8: {  	_ =	sfence.sel $0x180000  }
0xf9: {  	[bflag:$0x0] =	sbarrier.arrive $0xFFFF  }
0xfa: {  	p0 =	sne.s32 s2, $0x0;
	_ =	strace $0x90000047  }
0xfb: {  	s0 =	sadd.s32 @!p0 $0x100000, s1;
	[bflag:$0x2] =	sbarrier.arrive $0xFFFF  }
0xfc: {  	[sflag:s0] =	ssyncadd.tile.s32 @!p0 $0x1;
	_ =	shalt  }
.Lfunc_end2:
_tile_overlayer_lowered:
.L_overlay_start_2:
0xfd: {  	(tag) =	ssettag $0x2  }
0xfe: {  	s0 =	rddreg [dreg:$0x0];
	s2 =	stileid.u32  }
0xff: {  	s1 =	rddreg [dreg:$0x1];
	p0 =	sne.s32 s2, $0x0  }
0x100: {  	s3 =	rddreg [dreg:$0x2];
	[bflag:$0x3] =	sbarrier.arrive $0xFFFF;
	s2 =	simm.s32 @!p0 $0x1C05  }
0x101: {  	[timem:s3], [sflag:s2] =	dma.local @!p0 [hbm:s0], s1  }
0x102: {  	s0 =	simm.s32 @!p0 $0x5  }
0x103: {  	_ =	swait.ge @!p0 [sflag:s0], s1  }
0x104: {  	s1 =	ssub.s32 @!p0 $0x0, s1;
	[sflag:s0] =	ssyncset.done @!p0 $0x0  }
0x105: {  	[sflag:s0] =	ssyncadd.s32 @!p0 s1  }
0x106: {  	[bflag:$0x3] =	sbarrier.arrive $0xFFFF  }
0x107: {  	_ =	shalt  }

</sc_bundles>
